<compile_context>
chip_gen: v7x
topology: tpu7x:2x2x1
jax: 0.10.2.dev20260603
libtpu: 0.0.44.dev20260713+nightly
codegen_flags: <defaults>
</compile_context>

<pallas_src>
import jax
import jax.numpy as jnp
from jax import lax
from jax.experimental import pallas as pl
from jax.experimental.pallas import tpu as pltpu
from jax.experimental.pallas import tpu_sc as plsc

B, S, D, E = 4, 8192, 2048, 64
VEC = 16
NC, NS = 2, 16
NW = NC * NS
WPB = NW // B

S_TC = 6144
S_SC = S - S_TC
RPW = S_SC // WPB
R = 16
NCHUNK = RPW // R
NG_SC = NCHUNK // 2

RB = 256
CPB_TC = S_TC // RB
NCH_TC = B * CPB_TC
NBUF = 8
NG_TC = NCH_TC // NBUF


def _sc_sum(x_hbm, out_hbm, buf0, buf1, acc, sem0, sem1):
    wid = lax.axis_index("s") * NC + lax.axis_index("c")
    batch = wid // WPB
    slot = wid % WPB
    base = batch * S + S_TC + slot * RPW

    def start(c, buf, sem):
        pltpu.async_copy(x_hbm.at[pl.ds(base + c * R, R)], buf, sem)

    def wait(buf, sem):
        pltpu.make_async_copy(x_hbm.at[pl.ds(0, R)], buf, sem).wait()

    @plsc.parallel_loop(0, D // VEC)
    def _zero(j):
        acc[0, pl.ds(j * VEC, VEC)] = jnp.zeros((VEC,), jnp.float32)

    start(0, buf0, sem0)
    start(1, buf1, sem1)

    def accum(buf):
        @plsc.parallel_loop(0, D // VEC, unroll=2)
        def _strip(j):
            col = j * VEC
            v = buf[0, pl.ds(col, VEC)]
            for r in range(1, R):
                v = v + buf[r, pl.ds(col, VEC)]
            acc[0, pl.ds(col, VEC)] += v

    def body(g, _):
        wait(buf0, sem0)
        accum(buf0)

        @pl.when(g < NG_SC - 1)
        def _p0():
            start(2 * g + 2, buf0, sem0)

        wait(buf1, sem1)
        accum(buf1)

        @pl.when(g < NG_SC - 1)
        def _p1():
            start(2 * g + 3, buf1, sem1)

        return 0

    lax.fori_loop(0, NG_SC, body, 0)
    pltpu.sync_copy(acc, out_hbm.at[pl.ds(wid, 1)])


_sc_sum_call = pl.kernel(
    _sc_sum,
    out_type=jax.ShapeDtypeStruct((NW, D), jnp.float32),
    mesh=plsc.VectorSubcoreMesh(core_axis_name="c", subcore_axis_name="s"),
    scratch_types=[
        pltpu.VMEM((R, D), jnp.float32),
        pltpu.VMEM((R, D), jnp.float32),
        pltpu.VMEM((1, D), jnp.float32),
        pltpu.SemaphoreType.DMA,
        pltpu.SemaphoreType.DMA,
    ],
)


def _tc_kernel(x_hbm, out_ref, *rest):
    bufs = list(rest[:NBUF])
    acc_ref = rest[NBUF]
    sems = list(rest[NBUF + 1:])

    def row_of(c):
        return (c // CPB_TC) * S + (c % CPB_TC) * RB

    def start(c, k):
        pltpu.make_async_copy(
            x_hbm.at[pl.ds(row_of(c) * 1, RB)], bufs[k], sems[k]).start()

    def wait(k):
        pltpu.make_async_copy(
            x_hbm.at[pl.ds(0, RB)], bufs[k], sems[k]).wait()

    acc_ref[...] = jnp.zeros_like(acc_ref)
    for k in range(NBUF):
        start(k, k)

    def loop(g, _):
        for k in range(NBUF):
            c = NBUF * g + k
            wait(k)
            part = jnp.sum(bufs[k][...].reshape(RB // 8, 8, D), axis=0)
            batch = c // CPB_TC
            acc_ref[pl.ds(batch * 8, 8), :] += part

            @pl.when(c + NBUF < NCH_TC)
            def _next():
                start(c + NBUF, k)

        return 0

    lax.fori_loop(0, NG_TC, loop, 0)
    out_ref[...] = jnp.sum(
        acc_ref[...].reshape(B, 8, D), axis=1)


def _combine_kernel(t_ref, p_ref, w_ref, b_ref, out_ref):
    s = t_ref[...] + jnp.sum(p_ref[...], axis=1)
    logits = jax.lax.dot_general(
        s, w_ref[...],
        dimension_numbers=(((1,), (1,)), ((), ())),
        preferred_element_type=jnp.float32,
    ) + b_ref[...]
    out_ref[...] = jnp.argmax(logits, axis=1).astype(jnp.int32)[None, :]


def kernel(x, W, b):
    xf = x.reshape(B * S, D)
    sc_partials = _sc_sum_call(xf)
    tc_partial = pl.pallas_call(
        _tc_kernel,
        in_specs=[pl.BlockSpec(memory_space=pltpu.MemorySpace.HBM)],
        out_specs=pl.BlockSpec(memory_space=pltpu.MemorySpace.VMEM),
        out_shape=jax.ShapeDtypeStruct((B, D), jnp.float32),
        scratch_shapes=(
            [pltpu.VMEM((RB, D), jnp.float32)] * NBUF
            + [pltpu.VMEM((B * 8, D), jnp.float32)]
            + [pltpu.SemaphoreType.DMA] * NBUF
        ),
    )(xf)
    out = pl.pallas_call(
        _combine_kernel,
        in_specs=[
            pl.BlockSpec((B, D), lambda: (0, 0)),
            pl.BlockSpec((B, WPB, D), lambda: (0, 0, 0)),
            pl.BlockSpec((E, D), lambda: (0, 0)),
            pl.BlockSpec((1, E), lambda: (0, 0)),
        ],
        out_specs=pl.BlockSpec((1, B), lambda: (0, 0)),
        out_shape=jax.ShapeDtypeStruct((1, B), jnp.int32),
    )(tc_partial, sc_partials.reshape(B, WPB, D), W, b.reshape(1, E))
    return out.reshape(B)

# --- scband reference (transcript-rebuilt; emitter-appended) ---
"""Pipeline reference for scband-router-18872086298683 (READ-ONLY COPY).

The authoritative reference and input builder live on the scoring server;
editing this copy changes nothing except your own understanding.
"""

import jax, jax.numpy as jnp
import numpy as np

B, S, D, E = 4, 8192, 2048, 64

def setup_inputs(seed: int = 0) -> dict:
    key = jax.random.key(seed)
    k1, k2, k3 = jax.random.split(key, 3)
    x = jax.random.normal(k1, (B, S, D), dtype=jnp.float32)
    lim = 1.0 / np.sqrt(D)
    W = jax.random.uniform(k2, (E, D), minval=-lim, maxval=lim, dtype=jnp.float32)
    b = jax.random.uniform(k3, (E,), minval=-lim, maxval=lim, dtype=jnp.float32)
    return {"x": x, "W": W, "b": b}

def reference(x, W, b):
    # torch: fc0(torch.sum(x, dim=1))
    s = jnp.sum(x, axis=1)                 # [B, D] -- memory-bound reduction over seq
    logits = s @ W.T + b                   # [B, E]
    # torch nn.functional.softmax without dim -> dim=1 for 2D input
    probs = jax.nn.softmax(logits, axis=1)
    # torch.argmax(x, dim=1)
    return jnp.argmax(probs, axis=1)       # int32/int64 expert ids, shape [B]

if __name__ == "__main__":
    import jax
    _d = setup_inputs()
    print(jax.jit(kernel)(*tuple(_d.values())))

</pallas_src>

<mosaic_0001>
#map = affine_map<(d0, d1) -> (0, 0)>
module attributes {stable_mosaic.version = 14 : i64} {
  func.func @_sc_sum(%arg0: i32, %arg1: i32, %arg2: memref<32768x2048xf32, #tpu.memory_space<hbm>>, %arg3: memref<32x2048xf32, #tpu.memory_space<hbm>>, %arg4: memref<16x2048xf32, #tpu.memory_space<vmem>>, %arg5: memref<16x2048xf32, #tpu.memory_space<vmem>>, %arg6: memref<1x2048xf32, #tpu.memory_space<vmem>>, %arg7: memref<!tpu.dma_semaphore, #tpu.memory_space<semaphore_mem>>, %arg8: memref<!tpu.dma_semaphore, #tpu.memory_space<semaphore_mem>>) attributes {dimension_semantics = [#tpu.dimension_semantics<core_parallel>, #tpu.dimension_semantics<subcore_parallel>], iteration_bounds = array<i64: 2, 16>, scalar_prefetch = 0 : i64, scratch_operands = 5 : i64, tpu.core_type = #tpu.core_type<sc_vector_subcore>, window_params = [{transform_indices = #map}, {transform_indices = #map}]} {
    %mul3A = arith.constant 2 : i32
    %mul3A_0 = arith.muli %arg1, %mul3A : i32
    %add3A = arith.addi %mul3A_0, %arg0 : i32
    %jit3A = arith.constant 8 : i32
    %div3A = arith.divsi %add3A, %jit3A : i32
    %sign3A = arith.constant 0 : i32
    %sign3A_1 = arith.cmpi sgt, %add3A, %sign3A : i32
    %sign3A_2 = arith.extui %sign3A_1 : i1 to i32
    %sign3A_3 = arith.constant 0 : i32
    %sign3A_4 = arith.cmpi slt, %add3A, %sign3A_3 : i32
    %sign3A_5 = arith.extui %sign3A_4 : i1 to i32
    %sign3A_6 = arith.subi %sign3A_2, %sign3A_5 : i32
    %sign3A_7 = arith.constant 0 : i32
    %sign3A_8 = arith.cmpi sgt, %jit3A, %sign3A_7 : i32
    %sign3A_9 = arith.extui %sign3A_8 : i1 to i32
    %sign3A_10 = arith.constant 0 : i32
    %sign3A_11 = arith.cmpi slt, %jit3A, %sign3A_10 : i32
    %sign3A_12 = arith.extui %sign3A_11 : i1 to i32
    %sign3A_13 = arith.subi %sign3A_9, %sign3A_12 : i32
    %ne3A = arith.cmpi ne, %sign3A_6, %sign3A_13 : i32
    %rem3A = arith.remsi %add3A, %jit3A : i32
    %ne3A_14 = arith.constant 0 : i32
    %ne3A_15 = arith.cmpi ne, %rem3A, %ne3A_14 : i32
    %and3A = arith.andi %ne3A, %ne3A_15 : i1
    %sub3A = arith.constant 1 : i32
    %sub3A_16 = arith.subi %div3A, %sub3A : i32
    %select_n3A = arith.select %and3A, %sub3A_16, %div3A : i32
    %jit3A_17 = arith.constant 8 : i32
    %eq3A = arith.constant 0 : i32
    %eq3A_18 = arith.cmpi eq, %jit3A_17, %eq3A : i32
    %jit3A_19 = arith.constant 1 : i32
    %select_n3A_20 = arith.select %eq3A_18, %jit3A_19, %jit3A_17 : i32
    %rem3A_21 = arith.remsi %add3A, %select_n3A_20 : i32
    %ne3A_22 = arith.constant 0 : i32
    %ne3A_23 = arith.cmpi ne, %rem3A_21, %ne3A_22 : i32
    %lt3A = arith.constant 0 : i32
    %lt3A_24 = arith.cmpi slt, %rem3A_21, %lt3A : i32
    %lt3A_25 = arith.constant 0 : i32
    %lt3A_26 = arith.cmpi slt, %select_n3A_20, %lt3A_25 : i32
    %ne3A_27 = arith.xori %lt3A_24, %lt3A_26 : i1
    %and3A_28 = arith.andi %ne3A_27, %ne3A_23 : i1
    %add3A_29 = arith.addi %rem3A_21, %select_n3A_20 : i32
    %select_n3A_30 = arith.select %and3A_28, %add3A_29, %rem3A_21 : i32
    %mul3A_31 = arith.constant 8192 : i32
    %mul3A_32 = arith.muli %select_n3A, %mul3A_31 : i32
    %add3A_33 = arith.constant 6144 : i32
    %add3A_34 = arith.addi %mul3A_32, %add3A_33 : i32
    %mul3A_35 = arith.constant 256 : i32
    %mul3A_36 = arith.muli %select_n3A_30, %mul3A_35 : i32
    %add3A_37 = arith.addi %add3A_34, %mul3A_36 : i32
    %parallel_loop3A = arith.constant 0 : i32
    %parallel_loop3A_38 = arith.constant 128 : i32
    %parallel_loop3A_39 = arith.constant 1 : i32
    scf.for %parallel_loop3A_57 = %parallel_loop3A to %parallel_loop3A_38 step %parallel_loop3A_39  : i32 {
      %parallel_loop3A_58 = arith.constant 0.000000e+00 : f32
      %parallel_loop3A_59 = vector.broadcast %parallel_loop3A_58 : f32 to vector<16xf32>
      %parallel_loop3A_60 = arith.constant 16 : i32
      %parallel_loop3A_61 = arith.muli %parallel_loop3A_57, %parallel_loop3A_60 : i32
      %parallel_loop3A_62 = arith.constant 0 : i32
      %parallel_loop3A_63 = arith.index_cast %parallel_loop3A_62 : i32 to index
      %parallel_loop3A_64 = arith.index_cast %parallel_loop3A_61 : i32 to index
      %parallel_loop3A_65 = tpu.vector_load %arg6[%parallel_loop3A_63, %parallel_loop3A_64] {strides = array<i32>} : memref<1x2048xf32, #tpu.memory_space<vmem>>, vector<1x16xf32>,
      %parallel_loop3A_66 = vector.shape_cast %parallel_loop3A_65 : vector<1x16xf32> to vector<16xf32>
      %parallel_loop3A_67 = vector.shape_cast %parallel_loop3A_59 : vector<16xf32> to vector<1x16xf32>
      tpu.vector_store %arg6[%parallel_loop3A_63, %parallel_loop3A_64], %parallel_loop3A_67 {strides = array<i32>} : memref<1x2048xf32, #tpu.memory_space<vmem>>, vector<1x16xf32>,
    } {sc.loop_unroll_factor = 1 : i64, sc.parallel_access}
    %add3A_40 = arith.constant 0 : i32
    %add3A_41 = arith.addi %add3A_37, %add3A_40 : i32
    %dma_start3A = arith.constant 0 : i32
    %dma_start3A_42 = tpu.memref_slice %arg2[%add3A_41, %dma_start3A] : memref<32768x2048xf32, #tpu.memory_space<hbm>> -> memref<16x2048xf32, #tpu.memory_space<hbm>>
    %dma_start3A_43 = arith.constant 0 : i32
    %dma_start3A_44 = tpu.memref_slice %arg2[%add3A_41, %dma_start3A_43] : memref<32768x2048xf32, #tpu.memory_space<hbm>> -> memref<16x2048xf32, #tpu.memory_space<hbm>>
    tpu.enqueue_dma source(%dma_start3A_44 : memref<16x2048xf32, #tpu.memory_space<hbm>>) target(%arg4 : memref<16x2048xf32, #tpu.memory_space<vmem>>) target_semaphore(%arg7 : memref<!tpu.dma_semaphore, #tpu.memory_space<semaphore_mem>>)
    %add3A_45 = arith.constant 16 : i32
    %add3A_46 = arith.addi %add3A_37, %add3A_45 : i32
    %dma_start3A_47 = arith.constant 0 : i32
    %dma_start3A_48 = tpu.memref_slice %arg2[%add3A_46, %dma_start3A_47] : memref<32768x2048xf32, #tpu.memory_space<hbm>> -> memref<16x2048xf32, #tpu.memory_space<hbm>>
    %dma_start3A_49 = arith.constant 0 : i32
    %dma_start3A_50 = tpu.memref_slice %arg2[%add3A_46, %dma_start3A_49] : memref<32768x2048xf32, #tpu.memory_space<hbm>> -> memref<16x2048xf32, #tpu.memory_space<hbm>>
    tpu.enqueue_dma source(%dma_start3A_50 : memref<16x2048xf32, #tpu.memory_space<hbm>>) target(%arg5 : memref<16x2048xf32, #tpu.memory_space<vmem>>) target_semaphore(%arg8 : memref<!tpu.dma_semaphore, #tpu.memory_space<semaphore_mem>>)
    %scan3A = arith.constant 0 : i32
    %scan3A_51 = arith.constant 0 : i32
    %scan3A_52 = arith.constant 8 : i32
    %scan3A_53 = arith.addi %scan3A_51, %scan3A_52 : i32
    %scan3A_54 = arith.constant 1 : i32
    %scan3A_55 = scf.for %scan3A_57 = %scan3A_51 to %scan3A_53 step %scan3A_54 iter_args(%scan3A_58 = %scan3A) -> (i32)  : i32 {
      %dma_wait3A = arith.constant 0 : i32
      %dma_wait3A_59 = arith.constant 0 : i32
      %dma_wait3A_60 = tpu.memref_slice %arg2[%dma_wait3A, %dma_wait3A_59] : memref<32768x2048xf32, #tpu.memory_space<hbm>> -> memref<16x2048xf32, #tpu.memory_space<hbm>>
      %dma_wait3A_61 = arith.constant 0 : i32
      %dma_wait3A_62 = arith.constant 0 : i32
      %dma_wait3A_63 = tpu.memref_slice %arg2[%dma_wait3A_61, %dma_wait3A_62] : memref<32768x2048xf32, #tpu.memory_space<hbm>> -> memref<16x2048xf32, #tpu.memory_space<hbm>>
      tpu.wait_dma2 semaphore(%arg7 : memref<!tpu.dma_semaphore, #tpu.memory_space<semaphore_mem>>) src(%dma_wait3A_63 : memref<16x2048xf32, #tpu.memory_space<hbm>>) dst(%arg4 : memref<16x2048xf32, #tpu.memory_space<vmem>>)
      %parallel_loop3A_64 = arith.constant 0 : i32
      %parallel_loop3A_65 = arith.constant 128 : i32
      %parallel_loop3A_66 = arith.constant 1 : i32
      scf.for %parallel_loop3A_85 = %parallel_loop3A_64 to %parallel_loop3A_65 step %parallel_loop3A_66  : i32 {
        %parallel_loop3A_86 = arith.constant 16 : i32
        %parallel_loop3A_87 = arith.muli %parallel_loop3A_85, %parallel_loop3A_86 : i32
        %parallel_loop3A_88 = arith.constant 0 : i32
        %parallel_loop3A_89 = arith.index_cast %parallel_loop3A_88 : i32 to index
        %parallel_loop3A_90 = arith.index_cast %parallel_loop3A_87 : i32 to index
        %parallel_loop3A_91 = tpu.vector_load %arg4[%parallel_loop3A_89, %parallel_loop3A_90] {strides = array<i32>} : memref<16x2048xf32, #tpu.memory_space<vmem>>, vector<1x16xf32>,
        %parallel_loop3A_92 = vector.shape_cast %parallel_loop3A_91 : vector<1x16xf32> to vector<16xf32>
        %parallel_loop3A_93 = arith.constant 1 : i32
        %parallel_loop3A_94 = arith.index_cast %parallel_loop3A_93 : i32 to index
        %parallel_loop3A_95 = arith.index_cast %parallel_loop3A_87 : i32 to index
        %parallel_loop3A_96 = tpu.vector_load %arg4[%parallel_loop3A_94, %parallel_loop3A_95] {strides = array<i32>} : memref<16x2048xf32, #tpu.memory_space<vmem>>, vector<1x16xf32>,
        %parallel_loop3A_97 = vector.shape_cast %parallel_loop3A_96 : vector<1x16xf32> to vector<16xf32>
        %parallel_loop3A_98 = arith.addf %parallel_loop3A_92, %parallel_loop3A_97 : vector<16xf32>
        %parallel_loop3A_99 = arith.constant 2 : i32
        %parallel_loop3A_100 = arith.index_cast %parallel_loop3A_99 : i32 to index
        %parallel_loop3A_101 = arith.index_cast %parallel_loop3A_87 : i32 to index
        %parallel_loop3A_102 = tpu.vector_load %arg4[%parallel_loop3A_100, %parallel_loop3A_101] {strides = array<i32>} : memref<16x2048xf32, #tpu.memory_space<vmem>>, vector<1x16xf32>,
        %parallel_loop3A_103 = vector.shape_cast %parallel_loop3A_102 : vector<1x16xf32> to vector<16xf32>
        %parallel_loop3A_104 = arith.addf %parallel_loop3A_98, %parallel_loop3A_103 : vector<16xf32>
        %parallel_loop3A_105 = arith.constant 3 : i32
        %parallel_loop3A_106 = arith.index_cast %parallel_loop3A_105 : i32 to index
        %parallel_loop3A_107 = arith.index_cast %parallel_loop3A_87 : i32 to index
        %parallel_loop3A_108 = tpu.vector_load %arg4[%parallel_loop3A_106, %parallel_loop3A_107] {strides = array<i32>} : memref<16x2048xf32, #tpu.memory_space<vmem>>, vector<1x16xf32>,
        %parallel_loop3A_109 = vector.shape_cast %parallel_loop3A_108 : vector<1x16xf32> to vector<16xf32>
        %parallel_loop3A_110 = arith.addf %parallel_loop3A_104, %parallel_loop3A_109 : vector<16xf32>
        %parallel_loop3A_111 = arith.constant 4 : i32
        %parallel_loop3A_112 = arith.index_cast %parallel_loop3A_111 : i32 to index
        %parallel_loop3A_113 = arith.index_cast %parallel_loop3A_87 : i32 to index
        %parallel_loop3A_114 = tpu.vector_load %arg4[%parallel_loop3A_112, %parallel_loop3A_113] {strides = array<i32>} : memref<16x2048xf32, #tpu.memory_space<vmem>>, vector<1x16xf32>,
        %parallel_loop3A_115 = vector.shape_cast %parallel_loop3A_114 : vector<1x16xf32> to vector<16xf32>
        %parallel_loop3A_116 = arith.addf %parallel_loop3A_110, %parallel_loop3A_115 : vector<16xf32>
        %parallel_loop3A_117 = arith.constant 5 : i32
        %parallel_loop3A_118 = arith.index_cast %parallel_loop3A_117 : i32 to index
        %parallel_loop3A_119 = arith.index_cast %parallel_loop3A_87 : i32 to index
        %parallel_loop3A_120 = tpu.vector_load %arg4[%parallel_loop3A_118, %parallel_loop3A_119] {strides = array<i32>} : memref<16x2048xf32, #tpu.memory_space<vmem>>, vector<1x16xf32>,
        %parallel_loop3A_121 = vector.shape_cast %parallel_loop3A_120 : vector<1x16xf32> to vector<16xf32>
        %parallel_loop3A_122 = arith.addf %parallel_loop3A_116, %parallel_loop3A_121 : vector<16xf32>
        %parallel_loop3A_123 = arith.constant 6 : i32
        %parallel_loop3A_124 = arith.index_cast %parallel_loop3A_123 : i32 to index
        %parallel_loop3A_125 = arith.index_cast %parallel_loop3A_87 : i32 to index
        %parallel_loop3A_126 = tpu.vector_load %arg4[%parallel_loop3A_124, %parallel_loop3A_125] {strides = array<i32>} : memref<16x2048xf32, #tpu.memory_space<vmem>>, vector<1x16xf32>,
        %parallel_loop3A_127 = vector.shape_cast %parallel_loop3A_126 : vector<1x16xf32> to vector<16xf32>
        %parallel_loop3A_128 = arith.addf %parallel_loop3A_122, %parallel_loop3A_127 : vector<16xf32>
        %parallel_loop3A_129 = arith.constant 7 : i32
        %parallel_loop3A_130 = arith.index_cast %parallel_loop3A_129 : i32 to index
        %parallel_loop3A_131 = arith.index_cast %parallel_loop3A_87 : i32 to index
        %parallel_loop3A_132 = tpu.vector_load %arg4[%parallel_loop3A_130, %parallel_loop3A_131] {strides = array<i32>} : memref<16x2048xf32, #tpu.memory_space<vmem>>, vector<1x16xf32>,
        %parallel_loop3A_133 = vector.shape_cast %parallel_loop3A_132 : vector<1x16xf32> to vector<16xf32>
        %parallel_loop3A_134 = arith.addf %parallel_loop3A_128, %parallel_loop3A_133 : vector<16xf32>
        %parallel_loop3A_135 = arith.constant 8 : i32
        %parallel_loop3A_136 = arith.index_cast %parallel_loop3A_135 : i32 to index
        %parallel_loop3A_137 = arith.index_cast %parallel_loop3A_87 : i32 to index
        %parallel_loop3A_138 = tpu.vector_load %arg4[%parallel_loop3A_136, %parallel_loop3A_137] {strides = array<i32>} : memref<16x2048xf32, #tpu.memory_space<vmem>>, vector<1x16xf32>,
        %parallel_loop3A_139 = vector.shape_cast %parallel_loop3A_138 : vector<1x16xf32> to vector<16xf32>
        %parallel_loop3A_140 = arith.addf %parallel_loop3A_134, %parallel_loop3A_139 : vector<16xf32>
        %parallel_loop3A_141 = arith.constant 9 : i32
        %parallel_loop3A_142 = arith.index_cast %parallel_loop3A_141 : i32 to index
        %parallel_loop3A_143 = arith.index_cast %parallel_loop3A_87 : i32 to index
        %parallel_loop3A_144 = tpu.vector_load %arg4[%parallel_loop3A_142, %parallel_loop3A_143] {strides = array<i32>} : memref<16x2048xf32, #tpu.memory_space<vmem>>, vector<1x16xf32>,
        %parallel_loop3A_145 = vector.shape_cast %parallel_loop3A_144 : vector<1x16xf32> to vector<16xf32>
        %parallel_loop3A_146 = arith.addf %parallel_loop3A_140, %parallel_loop3A_145 : vector<16xf32>
        %parallel_loop3A_147 = arith.constant 10 : i32
        %parallel_loop3A_148 = arith.index_cast %parallel_loop3A_147 : i32 to index
        %parallel_loop3A_149 = arith.index_cast %parallel_loop3A_87 : i32 to index
        %parallel_loop3A_150 = tpu.vector_load %arg4[%parallel_loop3A_148, %parallel_loop3A_149] {strides = array<i32>} : memref<16x2048xf32, #tpu.memory_space<vmem>>, vector<1x16xf32>,
        %parallel_loop3A_151 = vector.shape_cast %parallel_loop3A_150 : vector<1x16xf32> to vector<16xf32>
        %parallel_loop3A_152 = arith.addf %parallel_loop3A_146, %parallel_loop3A_151 : vector<16xf32>
        %parallel_loop3A_153 = arith.constant 11 : i32
        %parallel_loop3A_154 = arith.index_cast %parallel_loop3A_153 : i32 to index
        %parallel_loop3A_155 = arith.index_cast %parallel_loop3A_87 : i32 to index
        %parallel_loop3A_156 = tpu.vector_load %arg4[%parallel_loop3A_154, %parallel_loop3A_155] {strides = array<i32>} : memref<16x2048xf32, #tpu.memory_space<vmem>>, vector<1x16xf32>,
        %parallel_loop3A_157 = vector.shape_cast %parallel_loop3A_156 : vector<1x16xf32> to vector<16xf32>
        %parallel_loop3A_158 = arith.addf %parallel_loop3A_152, %parallel_loop3A_157 : vector<16xf32>
        %parallel_loop3A_159 = arith.constant 12 : i32
        %parallel_loop3A_160 = arith.index_cast %parallel_loop3A_159 : i32 to index
        %parallel_loop3A_161 = arith.index_cast %parallel_loop3A_87 : i32 to index
        %parallel_loop3A_162 = tpu.vector_load %arg4[%parallel_loop3A_160, %parallel_loop3A_161] {strides = array<i32>} : memref<16x2048xf32, #tpu.memory_space<vmem>>, vector<1x16xf32>,
        %parallel_loop3A_163 = vector.shape_cast %parallel_loop3A_162 : vector<1x16xf32> to vector<16xf32>
        %parallel_loop3A_164 = arith.addf %parallel_loop3A_158, %parallel_loop3A_163 : vector<16xf32>
        %parallel_loop3A_165 = arith.constant 13 : i32
        %parallel_loop3A_166 = arith.index_cast %parallel_loop3A_165 : i32 to index
        %parallel_loop3A_167 = arith.index_cast %parallel_loop3A_87 : i32 to index
        %parallel_loop3A_168 = tpu.vector_load %arg4[%parallel_loop3A_166, %parallel_loop3A_167] {strides = array<i32>} : memref<16x2048xf32, #tpu.memory_space<vmem>>, vector<1x16xf32>,
        %parallel_loop3A_169 = vector.shape_cast %parallel_loop3A_168 : vector<1x16xf32> to vector<16xf32>
        %parallel_loop3A_170 = arith.addf %parallel_loop3A_164, %parallel_loop3A_169 : vector<16xf32>
        %parallel_loop3A_171 = arith.constant 14 : i32
        %parallel_loop3A_172 = arith.index_cast %parallel_loop3A_171 : i32 to index
        %parallel_loop3A_173 = arith.index_cast %parallel_loop3A_87 : i32 to index
        %parallel_loop3A_174 = tpu.vector_load %arg4[%parallel_loop3A_172, %parallel_loop3A_173] {strides = array<i32>} : memref<16x2048xf32, #tpu.memory_space<vmem>>, vector<1x16xf32>,
        %parallel_loop3A_175 = vector.shape_cast %parallel_loop3A_174 : vector<1x16xf32> to vector<16xf32>
        %parallel_loop3A_176 = arith.addf %parallel_loop3A_170, %parallel_loop3A_175 : vector<16xf32>
        %parallel_loop3A_177 = arith.constant 15 : i32
        %parallel_loop3A_178 = arith.index_cast %parallel_loop3A_177 : i32 to index
        %parallel_loop3A_179 = arith.index_cast %parallel_loop3A_87 : i32 to index
        %parallel_loop3A_180 = tpu.vector_load %arg4[%parallel_loop3A_178, %parallel_loop3A_179] {strides = array<i32>} : memref<16x2048xf32, #tpu.memory_space<vmem>>, vector<1x16xf32>,
        %parallel_loop3A_181 = vector.shape_cast %parallel_loop3A_180 : vector<1x16xf32> to vector<16xf32>
        %parallel_loop3A_182 = arith.addf %parallel_loop3A_176, %parallel_loop3A_181 : vector<16xf32>
        %parallel_loop3A_183 = arith.constant 0 : i32
        %parallel_loop3A_184 = arith.index_cast %parallel_loop3A_183 : i32 to index
        %parallel_loop3A_185 = arith.index_cast %parallel_loop3A_87 : i32 to index
        %parallel_loop3A_186 = tpu.vector_load %arg6[%parallel_loop3A_184, %parallel_loop3A_185] {strides = array<i32>} : memref<1x2048xf32, #tpu.memory_space<vmem>>, vector<1x16xf32>,
        %parallel_loop3A_187 = vector.shape_cast %parallel_loop3A_186 : vector<1x16xf32> to vector<16xf32>
        %parallel_loop3A_188 = arith.addf %parallel_loop3A_187, %parallel_loop3A_182 : vector<16xf32>
        %parallel_loop3A_189 = arith.constant 0 : i32
        %parallel_loop3A_190 = arith.index_cast %parallel_loop3A_189 : i32 to index
        %parallel_loop3A_191 = arith.index_cast %parallel_loop3A_87 : i32 to index
        %parallel_loop3A_192 = tpu.vector_load %arg6[%parallel_loop3A_190, %parallel_loop3A_191] {strides = array<i32>} : memref<1x2048xf32, #tpu.memory_space<vmem>>, vector<1x16xf32>,
        %parallel_loop3A_193 = vector.shape_cast %parallel_loop3A_192 : vector<1x16xf32> to vector<16xf32>
        %parallel_loop3A_194 = vector.shape_cast %parallel_loop3A_188 : vector<16xf32> to vector<1x16xf32>
        tpu.vector_store %arg6[%parallel_loop3A_190, %parallel_loop3A_191], %parallel_loop3A_194 {strides = array<i32>} : memref<1x2048xf32, #tpu.memory_space<vmem>>, vector<1x16xf32>,
      } {sc.loop_unroll_factor = 2 : i64, sc.parallel_access}
      %lt3A_67 = arith.constant 7 : i32
      %lt3A_68 = arith.cmpi slt, %scan3A_57, %lt3A_67 : i32
      %convert_element_type3A = arith.extui %lt3A_68 : i1 to i32
      %cond3A = arith.constant 0 : i32
      %cond3A_69 = arith.cmpi ne, %convert_element_type3A, %cond3A : i32
      scf.if %cond3A_69 {
        %mul3A_85 = arith.constant 2 : i32
        %mul3A_86 = arith.muli %mul3A_85, %scan3A_57 : i32
        %add3A_87 = arith.constant 2 : i32
        %add3A_88 = arith.addi %mul3A_86, %add3A_87 : i32
        %mul3A_89 = arith.constant 16 : i32
        %mul3A_90 = arith.muli %add3A_88, %mul3A_89 : i32
        %add3A_91 = arith.addi %add3A_37, %mul3A_90 : i32
        %dma_start3A_92 = arith.constant 0 : i32
        %dma_start3A_93 = tpu.memref_slice %arg2[%add3A_91, %dma_start3A_92] : memref<32768x2048xf32, #tpu.memory_space<hbm>> -> memref<16x2048xf32, #tpu.memory_space<hbm>>
        %dma_start3A_94 = arith.constant 0 : i32
        %dma_start3A_95 = tpu.memref_slice %arg2[%add3A_91, %dma_start3A_94] : memref<32768x2048xf32, #tpu.memory_space<hbm>> -> memref<16x2048xf32, #tpu.memory_space<hbm>>
        tpu.enqueue_dma source(%dma_start3A_95 : memref<16x2048xf32, #tpu.memory_space<hbm>>) target(%arg4 : memref<16x2048xf32, #tpu.memory_space<vmem>>) target_semaphore(%arg7 : memref<!tpu.dma_semaphore, #tpu.memory_space<semaphore_mem>>)
      } else {
      }
      %dma_wait3A_70 = arith.constant 0 : i32
      %dma_wait3A_71 = arith.constant 0 : i32
      %dma_wait3A_72 = tpu.memref_slice %arg2[%dma_wait3A_70, %dma_wait3A_71] : memref<32768x2048xf32, #tpu.memory_space<hbm>> -> memref<16x2048xf32, #tpu.memory_space<hbm>>
      %dma_wait3A_73 = arith.constant 0 : i32
      %dma_wait3A_74 = arith.constant 0 : i32
      %dma_wait3A_75 = tpu.memref_slice %arg2[%dma_wait3A_73, %dma_wait3A_74] : memref<32768x2048xf32, #tpu.memory_space<hbm>> -> memref<16x2048xf32, #tpu.memory_space<hbm>>
      tpu.wait_dma2 semaphore(%arg8 : memref<!tpu.dma_semaphore, #tpu.memory_space<semaphore_mem>>) src(%dma_wait3A_75 : memref<16x2048xf32, #tpu.memory_space<hbm>>) dst(%arg5 : memref<16x2048xf32, #tpu.memory_space<vmem>>)
      %parallel_loop3A_76 = arith.constant 0 : i32
      %parallel_loop3A_77 = arith.constant 128 : i32
      %parallel_loop3A_78 = arith.constant 1 : i32
      scf.for %parallel_loop3A_85 = %parallel_loop3A_76 to %parallel_loop3A_77 step %parallel_loop3A_78  : i32 {
        %parallel_loop3A_86 = arith.constant 16 : i32
        %parallel_loop3A_87 = arith.muli %parallel_loop3A_85, %parallel_loop3A_86 : i32
        %parallel_loop3A_88 = arith.constant 0 : i32
        %parallel_loop3A_89 = arith.index_cast %parallel_loop3A_88 : i32 to index
        %parallel_loop3A_90 = arith.index_cast %parallel_loop3A_87 : i32 to index
        %parallel_loop3A_91 = tpu.vector_load %arg5[%parallel_loop3A_89, %parallel_loop3A_90] {strides = array<i32>} : memref<16x2048xf32, #tpu.memory_space<vmem>>, vector<1x16xf32>,
        %parallel_loop3A_92 = vector.shape_cast %parallel_loop3A_91 : vector<1x16xf32> to vector<16xf32>
        %parallel_loop3A_93 = arith.constant 1 : i32
        %parallel_loop3A_94 = arith.index_cast %parallel_loop3A_93 : i32 to index
        %parallel_loop3A_95 = arith.index_cast %parallel_loop3A_87 : i32 to index
        %parallel_loop3A_96 = tpu.vector_load %arg5[%parallel_loop3A_94, %parallel_loop3A_95] {strides = array<i32>} : memref<16x2048xf32, #tpu.memory_space<vmem>>, vector<1x16xf32>,
        %parallel_loop3A_97 = vector.shape_cast %parallel_loop3A_96 : vector<1x16xf32> to vector<16xf32>
        %parallel_loop3A_98 = arith.addf %parallel_loop3A_92, %parallel_loop3A_97 : vector<16xf32>
        %parallel_loop3A_99 = arith.constant 2 : i32
        %parallel_loop3A_100 = arith.index_cast %parallel_loop3A_99 : i32 to index
        %parallel_loop3A_101 = arith.index_cast %parallel_loop3A_87 : i32 to index
        %parallel_loop3A_102 = tpu.vector_load %arg5[%parallel_loop3A_100, %parallel_loop3A_101] {strides = array<i32>} : memref<16x2048xf32, #tpu.memory_space<vmem>>, vector<1x16xf32>,
        %parallel_loop3A_103 = vector.shape_cast %parallel_loop3A_102 : vector<1x16xf32> to vector<16xf32>
        %parallel_loop3A_104 = arith.addf %parallel_loop3A_98, %parallel_loop3A_103 : vector<16xf32>
        %parallel_loop3A_105 = arith.constant 3 : i32
        %parallel_loop3A_106 = arith.index_cast %parallel_loop3A_105 : i32 to index
        %parallel_loop3A_107 = arith.index_cast %parallel_loop3A_87 : i32 to index
        %parallel_loop3A_108 = tpu.vector_load %arg5[%parallel_loop3A_106, %parallel_loop3A_107] {strides = array<i32>} : memref<16x2048xf32, #tpu.memory_space<vmem>>, vector<1x16xf32>,
        %parallel_loop3A_109 = vector.shape_cast %parallel_loop3A_108 : vector<1x16xf32> to vector<16xf32>
        %parallel_loop3A_110 = arith.addf %parallel_loop3A_104, %parallel_loop3A_109 : vector<16xf32>
        %parallel_loop3A_111 = arith.constant 4 : i32
        %parallel_loop3A_112 = arith.index_cast %parallel_loop3A_111 : i32 to index
        %parallel_loop3A_113 = arith.index_cast %parallel_loop3A_87 : i32 to index
        %parallel_loop3A_114 = tpu.vector_load %arg5[%parallel_loop3A_112, %parallel_loop3A_113] {strides = array<i32>} : memref<16x2048xf32, #tpu.memory_space<vmem>>, vector<1x16xf32>,
        %parallel_loop3A_115 = vector.shape_cast %parallel_loop3A_114 : vector<1x16xf32> to vector<16xf32>
        %parallel_loop3A_116 = arith.addf %parallel_loop3A_110, %parallel_loop3A_115 : vector<16xf32>
        %parallel_loop3A_117 = arith.constant 5 : i32
        %parallel_loop3A_118 = arith.index_cast %parallel_loop3A_117 : i32 to index
        %parallel_loop3A_119 = arith.index_cast %parallel_loop3A_87 : i32 to index
        %parallel_loop3A_120 = tpu.vector_load %arg5[%parallel_loop3A_118, %parallel_loop3A_119] {strides = array<i32>} : memref<16x2048xf32, #tpu.memory_space<vmem>>, vector<1x16xf32>,
        %parallel_loop3A_121 = vector.shape_cast %parallel_loop3A_120 : vector<1x16xf32> to vector<16xf32>
        %parallel_loop3A_122 = arith.addf %parallel_loop3A_116, %parallel_loop3A_121 : vector<16xf32>
        %parallel_loop3A_123 = arith.constant 6 : i32
        %parallel_loop3A_124 = arith.index_cast %parallel_loop3A_123 : i32 to index
        %parallel_loop3A_125 = arith.index_cast %parallel_loop3A_87 : i32 to index
        %parallel_loop3A_126 = tpu.vector_load %arg5[%parallel_loop3A_124, %parallel_loop3A_125] {strides = array<i32>} : memref<16x2048xf32, #tpu.memory_space<vmem>>, vector<1x16xf32>,
        %parallel_loop3A_127 = vector.shape_cast %parallel_loop3A_126 : vector<1x16xf32> to vector<16xf32>
        %parallel_loop3A_128 = arith.addf %parallel_loop3A_122, %parallel_loop3A_127 : vector<16xf32>
        %parallel_loop3A_129 = arith.constant 7 : i32
        %parallel_loop3A_130 = arith.index_cast %parallel_loop3A_129 : i32 to index
        %parallel_loop3A_131 = arith.index_cast %parallel_loop3A_87 : i32 to index
        %parallel_loop3A_132 = tpu.vector_load %arg5[%parallel_loop3A_130, %parallel_loop3A_131] {strides = array<i32>} : memref<16x2048xf32, #tpu.memory_space<vmem>>, vector<1x16xf32>,
        %parallel_loop3A_133 = vector.shape_cast %parallel_loop3A_132 : vector<1x16xf32> to vector<16xf32>
        %parallel_loop3A_134 = arith.addf %parallel_loop3A_128, %parallel_loop3A_133 : vector<16xf32>
        %parallel_loop3A_135 = arith.constant 8 : i32
        %parallel_loop3A_136 = arith.index_cast %parallel_loop3A_135 : i32 to index
        %parallel_loop3A_137 = arith.index_cast %parallel_loop3A_87 : i32 to index
        %parallel_loop3A_138 = tpu.vector_load %arg5[%parallel_loop3A_136, %parallel_loop3A_137] {strides = array<i32>} : memref<16x2048xf32, #tpu.memory_space<vmem>>, vector<1x16xf32>,
        %parallel_loop3A_139 = vector.shape_cast %parallel_loop3A_138 : vector<1x16xf32> to vector<16xf32>
        %parallel_loop3A_140 = arith.addf %parallel_loop3A_134, %parallel_loop3A_139 : vector<16xf32>
        %parallel_loop3A_141 = arith.constant 9 : i32
        %parallel_loop3A_142 = arith.index_cast %parallel_loop3A_141 : i32 to index
        %parallel_loop3A_143 = arith.index_cast %parallel_loop3A_87 : i32 to index
        %parallel_loop3A_144 = tpu.vector_load %arg5[%parallel_loop3A_142, %parallel_loop3A_143] {strides = array<i32>} : memref<16x2048xf32, #tpu.memory_space<vmem>>, vector<1x16xf32>,
        %parallel_loop3A_145 = vector.shape_cast %parallel_loop3A_144 : vector<1x16xf32> to vector<16xf32>
        %parallel_loop3A_146 = arith.addf %parallel_loop3A_140, %parallel_loop3A_145 : vector<16xf32>
        %parallel_loop3A_147 = arith.constant 10 : i32
        %parallel_loop3A_148 = arith.index_cast %parallel_loop3A_147 : i32 to index
        %parallel_loop3A_149 = arith.index_cast %parallel_loop3A_87 : i32 to index
        %parallel_loop3A_150 = tpu.vector_load %arg5[%parallel_loop3A_148, %parallel_loop3A_149] {strides = array<i32>} : memref<16x2048xf32, #tpu.memory_space<vmem>>, vector<1x16xf32>,
        %parallel_loop3A_151 = vector.shape_cast %parallel_loop3A_150 : vector<1x16xf32> to vector<16xf32>
        %parallel_loop3A_152 = arith.addf %parallel_loop3A_146, %parallel_loop3A_151 : vector<16xf32>
        %parallel_loop3A_153 = arith.constant 11 : i32
        %parallel_loop3A_154 = arith.index_cast %parallel_loop3A_153 : i32 to index
        %parallel_loop3A_155 = arith.index_cast %parallel_loop3A_87 : i32 to index
        %parallel_loop3A_156 = tpu.vector_load %arg5[%parallel_loop3A_154, %parallel_loop3A_155] {strides = array<i32>} : memref<16x2048xf32, #tpu.memory_space<vmem>>, vector<1x16xf32>,
        %parallel_loop3A_157 = vector.shape_cast %parallel_loop3A_156 : vector<1x16xf32> to vector<16xf32>
        %parallel_loop3A_158 = arith.addf %parallel_loop3A_152, %parallel_loop3A_157 : vector<16xf32>
        %parallel_loop3A_159 = arith.constant 12 : i32
        %parallel_loop3A_160 = arith.index_cast %parallel_loop3A_159 : i32 to index
        %parallel_loop3A_161 = arith.index_cast %parallel_loop3A_87 : i32 to index
        %parallel_loop3A_162 = tpu.vector_load %arg5[%parallel_loop3A_160, %parallel_loop3A_161] {strides = array<i32>} : memref<16x2048xf32, #tpu.memory_space<vmem>>, vector<1x16xf32>,
        %parallel_loop3A_163 = vector.shape_cast %parallel_loop3A_162 : vector<1x16xf32> to vector<16xf32>
        %parallel_loop3A_164 = arith.addf %parallel_loop3A_158, %parallel_loop3A_163 : vector<16xf32>
        %parallel_loop3A_165 = arith.constant 13 : i32
        %parallel_loop3A_166 = arith.index_cast %parallel_loop3A_165 : i32 to index
        %parallel_loop3A_167 = arith.index_cast %parallel_loop3A_87 : i32 to index
        %parallel_loop3A_168 = tpu.vector_load %arg5[%parallel_loop3A_166, %parallel_loop3A_167] {strides = array<i32>} : memref<16x2048xf32, #tpu.memory_space<vmem>>, vector<1x16xf32>,
        %parallel_loop3A_169 = vector.shape_cast %parallel_loop3A_168 : vector<1x16xf32> to vector<16xf32>
        %parallel_loop3A_170 = arith.addf %parallel_loop3A_164, %parallel_loop3A_169 : vector<16xf32>
        %parallel_loop3A_171 = arith.constant 14 : i32
        %parallel_loop3A_172 = arith.index_cast %parallel_loop3A_171 : i32 to index
        %parallel_loop3A_173 = arith.index_cast %parallel_loop3A_87 : i32 to index
        %parallel_loop3A_174 = tpu.vector_load %arg5[%parallel_loop3A_172, %parallel_loop3A_173] {strides = array<i32>} : memref<16x2048xf32, #tpu.memory_space<vmem>>, vector<1x16xf32>,
        %parallel_loop3A_175 = vector.shape_cast %parallel_loop3A_174 : vector<1x16xf32> to vector<16xf32>
        %parallel_loop3A_176 = arith.addf %parallel_loop3A_170, %parallel_loop3A_175 : vector<16xf32>
        %parallel_loop3A_177 = arith.constant 15 : i32
        %parallel_loop3A_178 = arith.index_cast %parallel_loop3A_177 : i32 to index
        %parallel_loop3A_179 = arith.index_cast %parallel_loop3A_87 : i32 to index
        %parallel_loop3A_180 = tpu.vector_load %arg5[%parallel_loop3A_178, %parallel_loop3A_179] {strides = array<i32>} : memref<16x2048xf32, #tpu.memory_space<vmem>>, vector<1x16xf32>,
        %parallel_loop3A_181 = vector.shape_cast %parallel_loop3A_180 : vector<1x16xf32> to vector<16xf32>
        %parallel_loop3A_182 = arith.addf %parallel_loop3A_176, %parallel_loop3A_181 : vector<16xf32>
        %parallel_loop3A_183 = arith.constant 0 : i32
        %parallel_loop3A_184 = arith.index_cast %parallel_loop3A_183 : i32 to index
        %parallel_loop3A_185 = arith.index_cast %parallel_loop3A_87 : i32 to index
        %parallel_loop3A_186 = tpu.vector_load %arg6[%parallel_loop3A_184, %parallel_loop3A_185] {strides = array<i32>} : memref<1x2048xf32, #tpu.memory_space<vmem>>, vector<1x16xf32>,
        %parallel_loop3A_187 = vector.shape_cast %parallel_loop3A_186 : vector<1x16xf32> to vector<16xf32>
        %parallel_loop3A_188 = arith.addf %parallel_loop3A_187, %parallel_loop3A_182 : vector<16xf32>
        %parallel_loop3A_189 = arith.constant 0 : i32
        %parallel_loop3A_190 = arith.index_cast %parallel_loop3A_189 : i32 to index
        %parallel_loop3A_191 = arith.index_cast %parallel_loop3A_87 : i32 to index
        %parallel_loop3A_192 = tpu.vector_load %arg6[%parallel_loop3A_190, %parallel_loop3A_191] {strides = array<i32>} : memref<1x2048xf32, #tpu.memory_space<vmem>>, vector<1x16xf32>,
        %parallel_loop3A_193 = vector.shape_cast %parallel_loop3A_192 : vector<1x16xf32> to vector<16xf32>
        %parallel_loop3A_194 = vector.shape_cast %parallel_loop3A_188 : vector<16xf32> to vector<1x16xf32>
        tpu.vector_store %arg6[%parallel_loop3A_190, %parallel_loop3A_191], %parallel_loop3A_194 {strides = array<i32>} : memref<1x2048xf32, #tpu.memory_space<vmem>>, vector<1x16xf32>,
      } {sc.loop_unroll_factor = 2 : i64, sc.parallel_access}
      %lt3A_79 = arith.constant 7 : i32
      %lt3A_80 = arith.cmpi slt, %scan3A_57, %lt3A_79 : i32
      %convert_element_type3A_81 = arith.extui %lt3A_80 : i1 to i32
      %cond3A_82 = arith.constant 0 : i32
      %cond3A_83 = arith.cmpi ne, %convert_element_type3A_81, %cond3A_82 : i32
      scf.if %cond3A_83 {
        %mul3A_85 = arith.constant 2 : i32
        %mul3A_86 = arith.muli %mul3A_85, %scan3A_57 : i32
        %add3A_87 = arith.constant 3 : i32
        %add3A_88 = arith.addi %mul3A_86, %add3A_87 : i32
        %mul3A_89 = arith.constant 16 : i32
        %mul3A_90 = arith.muli %add3A_88, %mul3A_89 : i32
        %add3A_91 = arith.addi %add3A_37, %mul3A_90 : i32
        %dma_start3A_92 = arith.constant 0 : i32
        %dma_start3A_93 = tpu.memref_slice %arg2[%add3A_91, %dma_start3A_92] : memref<32768x2048xf32, #tpu.memory_space<hbm>> -> memref<16x2048xf32, #tpu.memory_space<hbm>>
        %dma_start3A_94 = arith.constant 0 : i32
        %dma_start3A_95 = tpu.memref_slice %arg2[%add3A_91, %dma_start3A_94] : memref<32768x2048xf32, #tpu.memory_space<hbm>> -> memref<16x2048xf32, #tpu.memory_space<hbm>>
        tpu.enqueue_dma source(%dma_start3A_95 : memref<16x2048xf32, #tpu.memory_space<hbm>>) target(%arg5 : memref<16x2048xf32, #tpu.memory_space<vmem>>) target_semaphore(%arg8 : memref<!tpu.dma_semaphore, #tpu.memory_space<semaphore_mem>>)
      } else {
      }
      %scan3A_84 = arith.constant 0 : i32
      scf.yield %scan3A_84 : i32
    }
    %scan3A_56 = arith.constant 8 : i32
    "tpu.region"() ({
      %run_scoped3A = tpu.sem_alloc : memref<!tpu.dma_semaphore, #tpu.memory_space<semaphore_mem>>
      %dma_start3A_57 = arith.constant 0 : i32
      %dma_start3A_58 = tpu.memref_slice %arg3[%add3A, %dma_start3A_57] : memref<32x2048xf32, #tpu.memory_space<hbm>> -> memref<1x2048xf32, #tpu.memory_space<hbm>>
      %dma_start3A_59 = arith.constant 0 : i32
      %dma_start3A_60 = tpu.memref_slice %arg3[%add3A, %dma_start3A_59] : memref<32x2048xf32, #tpu.memory_space<hbm>> -> memref<1x2048xf32, #tpu.memory_space<hbm>>
      tpu.enqueue_dma source(%arg6 : memref<1x2048xf32, #tpu.memory_space<vmem>>) target(%dma_start3A_60 : memref<1x2048xf32, #tpu.memory_space<hbm>>) target_semaphore(%run_scoped3A : memref<!tpu.dma_semaphore, #tpu.memory_space<semaphore_mem>>)
      %dma_wait3A = arith.constant 0 : i32
      %dma_wait3A_61 = tpu.memref_slice %arg3[%add3A, %dma_wait3A] : memref<32x2048xf32, #tpu.memory_space<hbm>> -> memref<1x2048xf32, #tpu.memory_space<hbm>>
      %dma_wait3A_62 = arith.constant 0 : i32
      %dma_wait3A_63 = tpu.memref_slice %arg3[%add3A, %dma_wait3A_62] : memref<32x2048xf32, #tpu.memory_space<hbm>> -> memref<1x2048xf32, #tpu.memory_space<hbm>>
      tpu.wait_dma2 semaphore(%run_scoped3A : memref<!tpu.dma_semaphore, #tpu.memory_space<semaphore_mem>>) src(%arg6 : memref<1x2048xf32, #tpu.memory_space<vmem>>) dst(%dma_wait3A_63 : memref<1x2048xf32, #tpu.memory_space<hbm>>)
      tpu.yield
    }) : () -> ()
    return
  }
}

module attributes {stable_mosaic.version = 14 : i64} {
  func.func @_combine_kernel(%arg0: memref<4x2048xf32, #tpu.memory_space<vmem>>, %arg1: memref<4x8x2048xf32, #tpu.memory_space<vmem>>, %arg2: memref<64x2048xf32, #tpu.memory_space<vmem>>, %arg3: memref<1x64xf32, #tpu.memory_space<vmem>>, %arg4: memref<1x4xi32, #tpu.memory_space<vmem>>) attributes {dimension_semantics = [], scalar_prefetch = 0 : i64, scratch_operands = 0 : i64, tpu.core_type = #tpu.core_type<tc>} {
    %get3A = arith.constant 0 : index
    %get3A_0 = arith.constant 0 : index
    %get3A_1 = vector.load %arg0[%get3A, %get3A_0] : memref<4x2048xf32, #tpu.memory_space<vmem>>, vector<4x2048xf32>
    %get3A_2 = arith.constant 0 : index
    %get3A_3 = arith.constant 0 : index
    %get3A_4 = arith.constant 0 : index
    %get3A_5 = vector.load %arg1[%get3A_2, %get3A_3, %get3A_4] : memref<4x8x2048xf32, #tpu.memory_space<vmem>>, vector<4x8x2048xf32>
    %reduce_sum3A = arith.constant dense<0.000000e+00> : vector<4x2048xf32>
    %reduce_sum3A_6 = vector.multi_reduction <add>, %get3A_5, %reduce_sum3A [1] : vector<4x8x2048xf32> to vector<4x2048xf32>
    %add3A = arith.addf %get3A_1, %reduce_sum3A_6 : vector<4x2048xf32>
    %get3A_7 = arith.constant 0 : index
    %get3A_8 = arith.constant 0 : index
    %get3A_9 = vector.load %arg2[%get3A_7, %get3A_8] : memref<64x2048xf32, #tpu.memory_space<vmem>>, vector<64x2048xf32>
    %dot_general3A = arith.constant dense<0.000000e+00> : vector<4x64xf32>
    %dot_general3A_10 = tpu.matmul %add3A, %get3A_9, %dot_general3A {dimension_numbers = #tpu.dot_dimension_numbers<[1], [1], [0], [0], [0, 0, 1, 0], [], []>, transpose_lhs_hint = false} : vector<4x2048xf32>, vector<64x2048xf32>, vector<4x64xf32> -> vector<4x64xf32>
    %get3A_11 = arith.constant 0 : index
    %get3A_12 = arith.constant 0 : index
    %get3A_13 = vector.load %arg3[%get3A_11, %get3A_12] : memref<1x64xf32, #tpu.memory_space<vmem>>, vector<1x64xf32>
    %add3A_14 = vector.broadcast %get3A_13 : vector<1x64xf32> to vector<4x64xf32>
    %add3A_15 = arith.addf %dot_general3A_10, %add3A_14 : vector<4x64xf32>
    %argmax3A = tpu.reduce_index %add3A_15 {axis = 1 : i32, kind = #tpu.reduction_kind<arg_max>} : vector<4x64xf32> -> vector<4xi32>
    %broadcast_in_dim3A = vector.shape_cast %argmax3A : vector<4xi32> to vector<1x4xi32>
    %swap3A = arith.constant 0 : index
    %swap3A_16 = arith.constant 0 : index
    %swap3A_17 = vector.load %arg4[%swap3A, %swap3A_16] : memref<1x4xi32, #tpu.memory_space<vmem>>, vector<1x4xi32>
    tpu.vector_store %arg4[%swap3A, %swap3A_16], %broadcast_in_dim3A {strides = array<i32>} : memref<1x4xi32, #tpu.memory_space<vmem>>, vector<1x4xi32>,
    return
  }
}

module attributes {stable_mosaic.version = 14 : i64} {
  func.func @_tc_kernel(%arg0: memref<32768x2048xf32, #tpu.memory_space<hbm>>, %arg1: memref<4x2048xf32, #tpu.memory_space<vmem>>, %arg2: memref<256x2048xf32, #tpu.memory_space<vmem>>, %arg3: memref<256x2048xf32, #tpu.memory_space<vmem>>, %arg4: memref<256x2048xf32, #tpu.memory_space<vmem>>, %arg5: memref<256x2048xf32, #tpu.memory_space<vmem>>, %arg6: memref<256x2048xf32, #tpu.memory_space<vmem>>, %arg7: memref<256x2048xf32, #tpu.memory_space<vmem>>, %arg8: memref<256x2048xf32, #tpu.memory_space<vmem>>, %arg9: memref<256x2048xf32, #tpu.memory_space<vmem>>, %arg10: memref<32x2048xf32, #tpu.memory_space<vmem>>, %arg11: memref<!tpu.dma_semaphore, #tpu.memory_space<semaphore_mem>>, %arg12: memref<!tpu.dma_semaphore, #tpu.memory_space<semaphore_mem>>, %arg13: memref<!tpu.dma_semaphore, #tpu.memory_space<semaphore_mem>>, %arg14: memref<!tpu.dma_semaphore, #tpu.memory_space<semaphore_mem>>, %arg15: memref<!tpu.dma_semaphore, #tpu.memory_space<semaphore_mem>>, %arg16: memref<!tpu.dma_semaphore, #tpu.memory_space<semaphore_mem>>, %arg17: memref<!tpu.dma_semaphore, #tpu.memory_space<semaphore_mem>>, %arg18: memref<!tpu.dma_semaphore, #tpu.memory_space<semaphore_mem>>) attributes {dimension_semantics = [], scalar_prefetch = 0 : i64, scratch_operands = 17 : i64, tpu.core_type = #tpu.core_type<tc>} {
    %broadcast_in_dim3A = arith.constant 0.000000e+00 : f32
    %broadcast_in_dim3A_0 = vector.broadcast %broadcast_in_dim3A : f32 to vector<32x2048xf32>
    %swap3A = arith.constant 0 : index
    %swap3A_1 = arith.constant 0 : index
    %swap3A_2 = vector.load %arg10[%swap3A, %swap3A_1] : memref<32x2048xf32, #tpu.memory_space<vmem>>, vector<32x2048xf32>
    tpu.vector_store %arg10[%swap3A, %swap3A_1], %broadcast_in_dim3A_0 {strides = array<i32>} : memref<32x2048xf32, #tpu.memory_space<vmem>>, vector<32x2048xf32>,
    %dma_start3A = arith.constant 0 : i32
    %dma_start3A_3 = arith.constant 0 : i32
    %dma_start3A_4 = tpu.memref_slice %arg0[%dma_start3A, %dma_start3A_3] : memref<32768x2048xf32, #tpu.memory_space<hbm>> -> memref<256x2048xf32, #tpu.memory_space<hbm>>
    tpu.enqueue_dma source(%dma_start3A_4 : memref<256x2048xf32, #tpu.memory_space<hbm>>) target(%arg2 : memref<256x2048xf32, #tpu.memory_space<vmem>>) target_semaphore(%arg11 : memref<!tpu.dma_semaphore, #tpu.memory_space<semaphore_mem>>)
    %dma_start3A_5 = arith.constant 256 : i32
    %dma_start3A_6 = arith.constant 0 : i32
    %dma_start3A_7 = tpu.memref_slice %arg0[%dma_start3A_5, %dma_start3A_6] : memref<32768x2048xf32, #tpu.memory_space<hbm>> -> memref<256x2048xf32, #tpu.memory_space<hbm>>
    tpu.enqueue_dma source(%dma_start3A_7 : memref<256x2048xf32, #tpu.memory_space<hbm>>) target(%arg3 : memref<256x2048xf32, #tpu.memory_space<vmem>>) target_semaphore(%arg12 : memref<!tpu.dma_semaphore, #tpu.memory_space<semaphore_mem>>)
    %dma_start3A_8 = arith.constant 512 : i32
    %dma_start3A_9 = arith.constant 0 : i32
    %dma_start3A_10 = tpu.memref_slice %arg0[%dma_start3A_8, %dma_start3A_9] : memref<32768x2048xf32, #tpu.memory_space<hbm>> -> memref<256x2048xf32, #tpu.memory_space<hbm>>
    tpu.enqueue_dma source(%dma_start3A_10 : memref<256x2048xf32, #tpu.memory_space<hbm>>) target(%arg4 : memref<256x2048xf32, #tpu.memory_space<vmem>>) target_semaphore(%arg13 : memref<!tpu.dma_semaphore, #tpu.memory_space<semaphore_mem>>)
    %dma_start3A_11 = arith.constant 768 : i32
    %dma_start3A_12 = arith.constant 0 : i32
    %dma_start3A_13 = tpu.memref_slice %arg0[%dma_start3A_11, %dma_start3A_12] : memref<32768x2048xf32, #tpu.memory_space<hbm>> -> memref<256x2048xf32, #tpu.memory_space<hbm>>
    tpu.enqueue_dma source(%dma_start3A_13 : memref<256x2048xf32, #tpu.memory_space<hbm>>) target(%arg5 : memref<256x2048xf32, #tpu.memory_space<vmem>>) target_semaphore(%arg14 : memref<!tpu.dma_semaphore, #tpu.memory_space<semaphore_mem>>)
    %dma_start3A_14 = arith.constant 1024 : i32
    %dma_start3A_15 = arith.constant 0 : i32
    %dma_start3A_16 = tpu.memref_slice %arg0[%dma_start3A_14, %dma_start3A_15] : memref<32768x2048xf32, #tpu.memory_space<hbm>> -> memref<256x2048xf32, #tpu.memory_space<hbm>>
    tpu.enqueue_dma source(%dma_start3A_16 : memref<256x2048xf32, #tpu.memory_space<hbm>>) target(%arg6 : memref<256x2048xf32, #tpu.memory_space<vmem>>) target_semaphore(%arg15 : memref<!tpu.dma_semaphore, #tpu.memory_space<semaphore_mem>>)
    %dma_start3A_17 = arith.constant 1280 : i32
    %dma_start3A_18 = arith.constant 0 : i32
    %dma_start3A_19 = tpu.memref_slice %arg0[%dma_start3A_17, %dma_start3A_18] : memref<32768x2048xf32, #tpu.memory_space<hbm>> -> memref<256x2048xf32, #tpu.memory_space<hbm>>
    tpu.enqueue_dma source(%dma_start3A_19 : memref<256x2048xf32, #tpu.memory_space<hbm>>) target(%arg7 : memref<256x2048xf32, #tpu.memory_space<vmem>>) target_semaphore(%arg16 : memref<!tpu.dma_semaphore, #tpu.memory_space<semaphore_mem>>)
    %dma_start3A_20 = arith.constant 1536 : i32
    %dma_start3A_21 = arith.constant 0 : i32
    %dma_start3A_22 = tpu.memref_slice %arg0[%dma_start3A_20, %dma_start3A_21] : memref<32768x2048xf32, #tpu.memory_space<hbm>> -> memref<256x2048xf32, #tpu.memory_space<hbm>>
    tpu.enqueue_dma source(%dma_start3A_22 : memref<256x2048xf32, #tpu.memory_space<hbm>>) target(%arg8 : memref<256x2048xf32, #tpu.memory_space<vmem>>) target_semaphore(%arg17 : memref<!tpu.dma_semaphore, #tpu.memory_space<semaphore_mem>>)
    %dma_start3A_23 = arith.constant 1792 : i32
    %dma_start3A_24 = arith.constant 0 : i32
    %dma_start3A_25 = tpu.memref_slice %arg0[%dma_start3A_23, %dma_start3A_24] : memref<32768x2048xf32, #tpu.memory_space<hbm>> -> memref<256x2048xf32, #tpu.memory_space<hbm>>
    tpu.enqueue_dma source(%dma_start3A_25 : memref<256x2048xf32, #tpu.memory_space<hbm>>) target(%arg9 : memref<256x2048xf32, #tpu.memory_space<vmem>>) target_semaphore(%arg18 : memref<!tpu.dma_semaphore, #tpu.memory_space<semaphore_mem>>)
    %scan3A = arith.constant 0 : i32
    %scan3A_26 = arith.constant 12 : i32
    %scan3A_27 = arith.addi %scan3A, %scan3A_26 : i32
    %scan3A_28 = arith.constant 1 : i32
    scf.for %scan3A_36 = %scan3A to %scan3A_27 step %scan3A_28  : i32 {
      %mul3A = arith.constant 8 : i32
      %mul3A_37 = arith.muli %mul3A, %scan3A_36 : i32
      %add3A = arith.constant 0 : i32
      %add3A_38 = arith.addi %mul3A_37, %add3A : i32
      %dma_wait3A = arith.constant 0 : i32
      %dma_wait3A_39 = arith.constant 0 : i32
      %dma_wait3A_40 = tpu.memref_slice %arg0[%dma_wait3A, %dma_wait3A_39] : memref<32768x2048xf32, #tpu.memory_space<hbm>> -> memref<256x2048xf32, #tpu.memory_space<hbm>>
      tpu.wait_dma2 semaphore(%arg11 : memref<!tpu.dma_semaphore, #tpu.memory_space<semaphore_mem>>) src(%dma_wait3A_40 : memref<256x2048xf32, #tpu.memory_space<hbm>>) dst(%arg2 : memref<256x2048xf32, #tpu.memory_space<vmem>>)
      %get3A_41 = arith.constant 0 : index
      %get3A_42 = arith.constant 0 : index
      %get3A_43 = vector.load %arg2[%get3A_41, %get3A_42] : memref<256x2048xf32, #tpu.memory_space<vmem>>, vector<256x2048xf32>
      %reshape3A_44 = vector.shape_cast %get3A_43 : vector<256x2048xf32> to vector<32x8x2048xf32>
      %reduce_sum3A_45 = arith.constant dense<0.000000e+00> : vector<8x2048xf32>
      %reduce_sum3A_46 = vector.multi_reduction <add>, %reshape3A_44, %reduce_sum3A_45 [0] : vector<32x8x2048xf32> to vector<8x2048xf32>
      %jit3A = arith.constant 24 : i32
      %div3A = arith.divsi %add3A_38, %jit3A : i32
      %sign3A = arith.constant 0 : i32
      %sign3A_47 = arith.cmpi sgt, %add3A_38, %sign3A : i32
      %sign3A_48 = arith.extui %sign3A_47 : i1 to i32
      %sign3A_49 = arith.constant 0 : i32
      %sign3A_50 = arith.cmpi slt, %add3A_38, %sign3A_49 : i32
      %sign3A_51 = arith.extui %sign3A_50 : i1 to i32
      %sign3A_52 = arith.subi %sign3A_48, %sign3A_51 : i32
      %sign3A_53 = arith.constant 0 : i32
      %sign3A_54 = arith.cmpi sgt, %jit3A, %sign3A_53 : i32
      %sign3A_55 = arith.extui %sign3A_54 : i1 to i32
      %sign3A_56 = arith.constant 0 : i32
      %sign3A_57 = arith.cmpi slt, %jit3A, %sign3A_56 : i32
      %sign3A_58 = arith.extui %sign3A_57 : i1 to i32
      %sign3A_59 = arith.subi %sign3A_55, %sign3A_58 : i32
      %ne3A = arith.cmpi ne, %sign3A_52, %sign3A_59 : i32
      %rem3A = arith.remsi %add3A_38, %jit3A : i32
      %ne3A_60 = arith.constant 0 : i32
      %ne3A_61 = arith.cmpi ne, %rem3A, %ne3A_60 : i32
      %and3A = arith.andi %ne3A, %ne3A_61 : i1
      %sub3A = arith.constant 1 : i32
      %sub3A_62 = arith.subi %div3A, %sub3A : i32
      %select_n3A = arith.select %and3A, %sub3A_62, %div3A : i32
      %mul3A_63 = arith.constant 8 : i32
      %mul3A_64 = arith.muli %select_n3A, %mul3A_63 : i32
      %get3A_65 = arith.index_cast %mul3A_64 : i32 to index
      %get3A_66 = arith.constant 0 : index
      %get3A_67 = vector.load %arg10[%get3A_65, %get3A_66] : memref<32x2048xf32, #tpu.memory_space<vmem>>, vector<8x2048xf32>
      %add3A_68 = arith.addf %get3A_67, %reduce_sum3A_46 : vector<8x2048xf32>
      %swap3A_69 = arith.index_cast %mul3A_64 : i32 to index
      %swap3A_70 = arith.constant 0 : index
      %swap3A_71 = vector.load %arg10[%swap3A_69, %swap3A_70] : memref<32x2048xf32, #tpu.memory_space<vmem>>, vector<8x2048xf32>
      tpu.vector_store %arg10[%swap3A_69, %swap3A_70], %add3A_68 {strides = array<i32>} : memref<32x2048xf32, #tpu.memory_space<vmem>>, vector<8x2048xf32>,
      %add3A_72 = arith.constant 8 : i32
      %add3A_73 = arith.addi %add3A_38, %add3A_72 : i32
      %lt3A = arith.constant 96 : i32
      %lt3A_74 = arith.cmpi slt, %add3A_73, %lt3A : i32
      %convert_element_type3A = arith.extui %lt3A_74 : i1 to i32
      %cond3A = arith.constant 0 : i32
      %cond3A_75 = arith.cmpi ne, %convert_element_type3A, %cond3A : i32
      scf.if %cond3A_75 {
        %add3A_447 = arith.constant 8 : i32
        %add3A_448 = arith.addi %add3A_38, %add3A_447 : i32
        %jit3A_449 = arith.constant 24 : i32
        %div3A_450 = arith.divsi %add3A_448, %jit3A_449 : i32
        %sign3A_451 = arith.constant 0 : i32
        %sign3A_452 = arith.cmpi sgt, %add3A_448, %sign3A_451 : i32
        %sign3A_453 = arith.extui %sign3A_452 : i1 to i32
        %sign3A_454 = arith.constant 0 : i32
        %sign3A_455 = arith.cmpi slt, %add3A_448, %sign3A_454 : i32
        %sign3A_456 = arith.extui %sign3A_455 : i1 to i32
        %sign3A_457 = arith.subi %sign3A_453, %sign3A_456 : i32
        %sign3A_458 = arith.constant 0 : i32
        %sign3A_459 = arith.cmpi sgt, %jit3A_449, %sign3A_458 : i32
        %sign3A_460 = arith.extui %sign3A_459 : i1 to i32
        %sign3A_461 = arith.constant 0 : i32
        %sign3A_462 = arith.cmpi slt, %jit3A_449, %sign3A_461 : i32
        %sign3A_463 = arith.extui %sign3A_462 : i1 to i32
        %sign3A_464 = arith.subi %sign3A_460, %sign3A_463 : i32
        %ne3A_465 = arith.cmpi ne, %sign3A_457, %sign3A_464 : i32
        %rem3A_466 = arith.remsi %add3A_448, %jit3A_449 : i32
        %ne3A_467 = arith.constant 0 : i32
        %ne3A_468 = arith.cmpi ne, %rem3A_466, %ne3A_467 : i32
        %and3A_469 = arith.andi %ne3A_465, %ne3A_468 : i1
        %sub3A_470 = arith.constant 1 : i32
        %sub3A_471 = arith.subi %div3A_450, %sub3A_470 : i32
        %select_n3A_472 = arith.select %and3A_469, %sub3A_471, %div3A_450 : i32
        %mul3A_473 = arith.constant 8192 : i32
        %mul3A_474 = arith.muli %select_n3A_472, %mul3A_473 : i32
        %jit3A_475 = arith.constant 24 : i32
        %eq3A = arith.constant 0 : i32
        %eq3A_476 = arith.cmpi eq, %jit3A_475, %eq3A : i32
        %jit3A_477 = arith.constant 1 : i32
        %select_n3A_478 = arith.select %eq3A_476, %jit3A_477, %jit3A_475 : i32
        %rem3A_479 = arith.remsi %add3A_448, %select_n3A_478 : i32
        %ne3A_480 = arith.constant 0 : i32
        %ne3A_481 = arith.cmpi ne, %rem3A_479, %ne3A_480 : i32
        %lt3A_482 = arith.constant 0 : i32
        %lt3A_483 = arith.cmpi slt, %rem3A_479, %lt3A_482 : i32
        %lt3A_484 = arith.constant 0 : i32
        %lt3A_485 = arith.cmpi slt, %select_n3A_478, %lt3A_484 : i32
        %ne3A_486 = arith.xori %lt3A_483, %lt3A_485 : i1
        %and3A_487 = arith.andi %ne3A_486, %ne3A_481 : i1
        %add3A_488 = arith.addi %rem3A_479, %select_n3A_478 : i32
        %select_n3A_489 = arith.select %and3A_487, %add3A_488, %rem3A_479 : i32
        %mul3A_490 = arith.constant 256 : i32
        %mul3A_491 = arith.muli %select_n3A_489, %mul3A_490 : i32
        %add3A_492 = arith.addi %mul3A_474, %mul3A_491 : i32
        %mul3A_493 = arith.constant 1 : i32
        %mul3A_494 = arith.muli %add3A_492, %mul3A_493 : i32
        %dma_start3A_495 = arith.constant 0 : i32
        %dma_start3A_496 = tpu.memref_slice %arg0[%mul3A_494, %dma_start3A_495] : memref<32768x2048xf32, #tpu.memory_space<hbm>> -> memref<256x2048xf32, #tpu.memory_space<hbm>>
        tpu.enqueue_dma source(%dma_start3A_496 : memref<256x2048xf32, #tpu.memory_space<hbm>>) target(%arg2 : memref<256x2048xf32, #tpu.memory_space<vmem>>) target_semaphore(%arg11 : memref<!tpu.dma_semaphore, #tpu.memory_space<semaphore_mem>>)
      } else {
      }
      %mul3A_76 = arith.constant 8 : i32
      %mul3A_77 = arith.muli %mul3A_76, %scan3A_36 : i32
      %add3A_78 = arith.constant 1 : i32
      %add3A_79 = arith.addi %mul3A_77, %add3A_78 : i32
      %dma_wait3A_80 = arith.constant 0 : i32
      %dma_wait3A_81 = arith.constant 0 : i32
      %dma_wait3A_82 = tpu.memref_slice %arg0[%dma_wait3A_80, %dma_wait3A_81] : memref<32768x2048xf32, #tpu.memory_space<hbm>> -> memref<256x2048xf32, #tpu.memory_space<hbm>>
      tpu.wait_dma2 semaphore(%arg12 : memref<!tpu.dma_semaphore, #tpu.memory_space<semaphore_mem>>) src(%dma_wait3A_82 : memref<256x2048xf32, #tpu.memory_space<hbm>>) dst(%arg3 : memref<256x2048xf32, #tpu.memory_space<vmem>>)
      %get3A_83 = arith.constant 0 : index
      %get3A_84 = arith.constant 0 : index
      %get3A_85 = vector.load %arg3[%get3A_83, %get3A_84] : memref<256x2048xf32, #tpu.memory_space<vmem>>, vector<256x2048xf32>
      %reshape3A_86 = vector.shape_cast %get3A_85 : vector<256x2048xf32> to vector<32x8x2048xf32>
      %reduce_sum3A_87 = arith.constant dense<0.000000e+00> : vector<8x2048xf32>
      %reduce_sum3A_88 = vector.multi_reduction <add>, %reshape3A_86, %reduce_sum3A_87 [0] : vector<32x8x2048xf32> to vector<8x2048xf32>
      %jit3A_89 = arith.constant 24 : i32
      %div3A_90 = arith.divsi %add3A_79, %jit3A_89 : i32
      %sign3A_91 = arith.constant 0 : i32
      %sign3A_92 = arith.cmpi sgt, %add3A_79, %sign3A_91 : i32
      %sign3A_93 = arith.extui %sign3A_92 : i1 to i32
      %sign3A_94 = arith.constant 0 : i32
      %sign3A_95 = arith.cmpi slt, %add3A_79, %sign3A_94 : i32
      %sign3A_96 = arith.extui %sign3A_95 : i1 to i32
      %sign3A_97 = arith.subi %sign3A_93, %sign3A_96 : i32
      %sign3A_98 = arith.constant 0 : i32
      %sign3A_99 = arith.cmpi sgt, %jit3A_89, %sign3A_98 : i32
      %sign3A_100 = arith.extui %sign3A_99 : i1 to i32
      %sign3A_101 = arith.constant 0 : i32
      %sign3A_102 = arith.cmpi slt, %jit3A_89, %sign3A_101 : i32
      %sign3A_103 = arith.extui %sign3A_102 : i1 to i32
      %sign3A_104 = arith.subi %sign3A_100, %sign3A_103 : i32
      %ne3A_105 = arith.cmpi ne, %sign3A_97, %sign3A_104 : i32
      %rem3A_106 = arith.remsi %add3A_79, %jit3A_89 : i32
      %ne3A_107 = arith.constant 0 : i32
      %ne3A_108 = arith.cmpi ne, %rem3A_106, %ne3A_107 : i32
      %and3A_109 = arith.andi %ne3A_105, %ne3A_108 : i1
      %sub3A_110 = arith.constant 1 : i32
      %sub3A_111 = arith.subi %div3A_90, %sub3A_110 : i32
      %select_n3A_112 = arith.select %and3A_109, %sub3A_111, %div3A_90 : i32
      %mul3A_113 = arith.constant 8 : i32
      %mul3A_114 = arith.muli %select_n3A_112, %mul3A_113 : i32
      %get3A_115 = arith.index_cast %mul3A_114 : i32 to index
      %get3A_116 = arith.constant 0 : index
      %get3A_117 = vector.load %arg10[%get3A_115, %get3A_116] : memref<32x2048xf32, #tpu.memory_space<vmem>>, vector<8x2048xf32>
      %add3A_118 = arith.addf %get3A_117, %reduce_sum3A_88 : vector<8x2048xf32>
      %swap3A_119 = arith.index_cast %mul3A_114 : i32 to index
      %swap3A_120 = arith.constant 0 : index
      %swap3A_121 = vector.load %arg10[%swap3A_119, %swap3A_120] : memref<32x2048xf32, #tpu.memory_space<vmem>>, vector<8x2048xf32>
      tpu.vector_store %arg10[%swap3A_119, %swap3A_120], %add3A_118 {strides = array<i32>} : memref<32x2048xf32, #tpu.memory_space<vmem>>, vector<8x2048xf32>,
      %add3A_122 = arith.constant 8 : i32
      %add3A_123 = arith.addi %add3A_79, %add3A_122 : i32
      %lt3A_124 = arith.constant 96 : i32
      %lt3A_125 = arith.cmpi slt, %add3A_123, %lt3A_124 : i32
      %convert_element_type3A_126 = arith.extui %lt3A_125 : i1 to i32
      %cond3A_127 = arith.constant 0 : i32
      %cond3A_128 = arith.cmpi ne, %convert_element_type3A_126, %cond3A_127 : i32
      scf.if %cond3A_128 {
        %add3A_447 = arith.constant 8 : i32
        %add3A_448 = arith.addi %add3A_79, %add3A_447 : i32
        %jit3A_449 = arith.constant 24 : i32
        %div3A_450 = arith.divsi %add3A_448, %jit3A_449 : i32
        %sign3A_451 = arith.constant 0 : i32
        %sign3A_452 = arith.cmpi sgt, %add3A_448, %sign3A_451 : i32
        %sign3A_453 = arith.extui %sign3A_452 : i1 to i32
        %sign3A_454 = arith.constant 0 : i32
        %sign3A_455 = arith.cmpi slt, %add3A_448, %sign3A_454 : i32
        %sign3A_456 = arith.extui %sign3A_455 : i1 to i32
        %sign3A_457 = arith.subi %sign3A_453, %sign3A_456 : i32
        %sign3A_458 = arith.constant 0 : i32
        %sign3A_459 = arith.cmpi sgt, %jit3A_449, %sign3A_458 : i32
        %sign3A_460 = arith.extui %sign3A_459 : i1 to i32
        %sign3A_461 = arith.constant 0 : i32
        %sign3A_462 = arith.cmpi slt, %jit3A_449, %sign3A_461 : i32
        %sign3A_463 = arith.extui %sign3A_462 : i1 to i32
        %sign3A_464 = arith.subi %sign3A_460, %sign3A_463 : i32
        %ne3A_465 = arith.cmpi ne, %sign3A_457, %sign3A_464 : i32
        %rem3A_466 = arith.remsi %add3A_448, %jit3A_449 : i32
        %ne3A_467 = arith.constant 0 : i32
        %ne3A_468 = arith.cmpi ne, %rem3A_466, %ne3A_467 : i32
        %and3A_469 = arith.andi %ne3A_465, %ne3A_468 : i1
        %sub3A_470 = arith.constant 1 : i32
        %sub3A_471 = arith.subi %div3A_450, %sub3A_470 : i32
        %select_n3A_472 = arith.select %and3A_469, %sub3A_471, %div3A_450 : i32
        %mul3A_473 = arith.constant 8192 : i32
        %mul3A_474 = arith.muli %select_n3A_472, %mul3A_473 : i32
        %jit3A_475 = arith.constant 24 : i32
        %eq3A = arith.constant 0 : i32
        %eq3A_476 = arith.cmpi eq, %jit3A_475, %eq3A : i32
        %jit3A_477 = arith.constant 1 : i32
        %select_n3A_478 = arith.select %eq3A_476, %jit3A_477, %jit3A_475 : i32
        %rem3A_479 = arith.remsi %add3A_448, %select_n3A_478 : i32
        %ne3A_480 = arith.constant 0 : i32
        %ne3A_481 = arith.cmpi ne, %rem3A_479, %ne3A_480 : i32
        %lt3A_482 = arith.constant 0 : i32
        %lt3A_483 = arith.cmpi slt, %rem3A_479, %lt3A_482 : i32
        %lt3A_484 = arith.constant 0 : i32
        %lt3A_485 = arith.cmpi slt, %select_n3A_478, %lt3A_484 : i32
        %ne3A_486 = arith.xori %lt3A_483, %lt3A_485 : i1
        %and3A_487 = arith.andi %ne3A_486, %ne3A_481 : i1
        %add3A_488 = arith.addi %rem3A_479, %select_n3A_478 : i32
        %select_n3A_489 = arith.select %and3A_487, %add3A_488, %rem3A_479 : i32
        %mul3A_490 = arith.constant 256 : i32
        %mul3A_491 = arith.muli %select_n3A_489, %mul3A_490 : i32
        %add3A_492 = arith.addi %mul3A_474, %mul3A_491 : i32
        %mul3A_493 = arith.constant 1 : i32
        %mul3A_494 = arith.muli %add3A_492, %mul3A_493 : i32
        %dma_start3A_495 = arith.constant 0 : i32
        %dma_start3A_496 = tpu.memref_slice %arg0[%mul3A_494, %dma_start3A_495] : memref<32768x2048xf32, #tpu.memory_space<hbm>> -> memref<256x2048xf32, #tpu.memory_space<hbm>>
        tpu.enqueue_dma source(%dma_start3A_496 : memref<256x2048xf32, #tpu.memory_space<hbm>>) target(%arg3 : memref<256x2048xf32, #tpu.memory_space<vmem>>) target_semaphore(%arg12 : memref<!tpu.dma_semaphore, #tpu.memory_space<semaphore_mem>>)
      } else {
      }
      %mul3A_129 = arith.constant 8 : i32
      %mul3A_130 = arith.muli %mul3A_129, %scan3A_36 : i32
      %add3A_131 = arith.constant 2 : i32
      %add3A_132 = arith.addi %mul3A_130, %add3A_131 : i32
      %dma_wait3A_133 = arith.constant 0 : i32
      %dma_wait3A_134 = arith.constant 0 : i32
      %dma_wait3A_135 = tpu.memref_slice %arg0[%dma_wait3A_133, %dma_wait3A_134] : memref<32768x2048xf32, #tpu.memory_space<hbm>> -> memref<256x2048xf32, #tpu.memory_space<hbm>>
      tpu.wait_dma2 semaphore(%arg13 : memref<!tpu.dma_semaphore, #tpu.memory_space<semaphore_mem>>) src(%dma_wait3A_135 : memref<256x2048xf32, #tpu.memory_space<hbm>>) dst(%arg4 : memref<256x2048xf32, #tpu.memory_space<vmem>>)
      %get3A_136 = arith.constant 0 : index
      %get3A_137 = arith.constant 0 : index
      %get3A_138 = vector.load %arg4[%get3A_136, %get3A_137] : memref<256x2048xf32, #tpu.memory_space<vmem>>, vector<256x2048xf32>
      %reshape3A_139 = vector.shape_cast %get3A_138 : vector<256x2048xf32> to vector<32x8x2048xf32>
      %reduce_sum3A_140 = arith.constant dense<0.000000e+00> : vector<8x2048xf32>
      %reduce_sum3A_141 = vector.multi_reduction <add>, %reshape3A_139, %reduce_sum3A_140 [0] : vector<32x8x2048xf32> to vector<8x2048xf32>
      %jit3A_142 = arith.constant 24 : i32
      %div3A_143 = arith.divsi %add3A_132, %jit3A_142 : i32
      %sign3A_144 = arith.constant 0 : i32
      %sign3A_145 = arith.cmpi sgt, %add3A_132, %sign3A_144 : i32
      %sign3A_146 = arith.extui %sign3A_145 : i1 to i32
      %sign3A_147 = arith.constant 0 : i32
      %sign3A_148 = arith.cmpi slt, %add3A_132, %sign3A_147 : i32
      %sign3A_149 = arith.extui %sign3A_148 : i1 to i32
      %sign3A_150 = arith.subi %sign3A_146, %sign3A_149 : i32
      %sign3A_151 = arith.constant 0 : i32
      %sign3A_152 = arith.cmpi sgt, %jit3A_142, %sign3A_151 : i32
      %sign3A_153 = arith.extui %sign3A_152 : i1 to i32
      %sign3A_154 = arith.constant 0 : i32
      %sign3A_155 = arith.cmpi slt, %jit3A_142, %sign3A_154 : i32
      %sign3A_156 = arith.extui %sign3A_155 : i1 to i32
      %sign3A_157 = arith.subi %sign3A_153, %sign3A_156 : i32
      %ne3A_158 = arith.cmpi ne, %sign3A_150, %sign3A_157 : i32
      %rem3A_159 = arith.remsi %add3A_132, %jit3A_142 : i32
      %ne3A_160 = arith.constant 0 : i32
      %ne3A_161 = arith.cmpi ne, %rem3A_159, %ne3A_160 : i32
      %and3A_162 = arith.andi %ne3A_158, %ne3A_161 : i1
      %sub3A_163 = arith.constant 1 : i32
      %sub3A_164 = arith.subi %div3A_143, %sub3A_163 : i32
      %select_n3A_165 = arith.select %and3A_162, %sub3A_164, %div3A_143 : i32
      %mul3A_166 = arith.constant 8 : i32
      %mul3A_167 = arith.muli %select_n3A_165, %mul3A_166 : i32
      %get3A_168 = arith.index_cast %mul3A_167 : i32 to index
      %get3A_169 = arith.constant 0 : index
      %get3A_170 = vector.load %arg10[%get3A_168, %get3A_169] : memref<32x2048xf32, #tpu.memory_space<vmem>>, vector<8x2048xf32>
      %add3A_171 = arith.addf %get3A_170, %reduce_sum3A_141 : vector<8x2048xf32>
      %swap3A_172 = arith.index_cast %mul3A_167 : i32 to index
      %swap3A_173 = arith.constant 0 : index
      %swap3A_174 = vector.load %arg10[%swap3A_172, %swap3A_173] : memref<32x2048xf32, #tpu.memory_space<vmem>>, vector<8x2048xf32>
      tpu.vector_store %arg10[%swap3A_172, %swap3A_173], %add3A_171 {strides = array<i32>} : memref<32x2048xf32, #tpu.memory_space<vmem>>, vector<8x2048xf32>,
      %add3A_175 = arith.constant 8 : i32
      %add3A_176 = arith.addi %add3A_132, %add3A_175 : i32
      %lt3A_177 = arith.constant 96 : i32
      %lt3A_178 = arith.cmpi slt, %add3A_176, %lt3A_177 : i32
      %convert_element_type3A_179 = arith.extui %lt3A_178 : i1 to i32
      %cond3A_180 = arith.constant 0 : i32
      %cond3A_181 = arith.cmpi ne, %convert_element_type3A_179, %cond3A_180 : i32
      scf.if %cond3A_181 {
        %add3A_447 = arith.constant 8 : i32
        %add3A_448 = arith.addi %add3A_132, %add3A_447 : i32
        %jit3A_449 = arith.constant 24 : i32
        %div3A_450 = arith.divsi %add3A_448, %jit3A_449 : i32
        %sign3A_451 = arith.constant 0 : i32
        %sign3A_452 = arith.cmpi sgt, %add3A_448, %sign3A_451 : i32
        %sign3A_453 = arith.extui %sign3A_452 : i1 to i32
        %sign3A_454 = arith.constant 0 : i32
        %sign3A_455 = arith.cmpi slt, %add3A_448, %sign3A_454 : i32
        %sign3A_456 = arith.extui %sign3A_455 : i1 to i32
        %sign3A_457 = arith.subi %sign3A_453, %sign3A_456 : i32
        %sign3A_458 = arith.constant 0 : i32
        %sign3A_459 = arith.cmpi sgt, %jit3A_449, %sign3A_458 : i32
        %sign3A_460 = arith.extui %sign3A_459 : i1 to i32
        %sign3A_461 = arith.constant 0 : i32
        %sign3A_462 = arith.cmpi slt, %jit3A_449, %sign3A_461 : i32
        %sign3A_463 = arith.extui %sign3A_462 : i1 to i32
        %sign3A_464 = arith.subi %sign3A_460, %sign3A_463 : i32
        %ne3A_465 = arith.cmpi ne, %sign3A_457, %sign3A_464 : i32
        %rem3A_466 = arith.remsi %add3A_448, %jit3A_449 : i32
        %ne3A_467 = arith.constant 0 : i32
        %ne3A_468 = arith.cmpi ne, %rem3A_466, %ne3A_467 : i32
        %and3A_469 = arith.andi %ne3A_465, %ne3A_468 : i1
        %sub3A_470 = arith.constant 1 : i32
        %sub3A_471 = arith.subi %div3A_450, %sub3A_470 : i32
        %select_n3A_472 = arith.select %and3A_469, %sub3A_471, %div3A_450 : i32
        %mul3A_473 = arith.constant 8192 : i32
        %mul3A_474 = arith.muli %select_n3A_472, %mul3A_473 : i32
        %jit3A_475 = arith.constant 24 : i32
        %eq3A = arith.constant 0 : i32
        %eq3A_476 = arith.cmpi eq, %jit3A_475, %eq3A : i32
        %jit3A_477 = arith.constant 1 : i32
        %select_n3A_478 = arith.select %eq3A_476, %jit3A_477, %jit3A_475 : i32
        %rem3A_479 = arith.remsi %add3A_448, %select_n3A_478 : i32
        %ne3A_480 = arith.constant 0 : i32
        %ne3A_481 = arith.cmpi ne, %rem3A_479, %ne3A_480 : i32
        %lt3A_482 = arith.constant 0 : i32
        %lt3A_483 = arith.cmpi slt, %rem3A_479, %lt3A_482 : i32
        %lt3A_484 = arith.constant 0 : i32
        %lt3A_485 = arith.cmpi slt, %select_n3A_478, %lt3A_484 : i32
        %ne3A_486 = arith.xori %lt3A_483, %lt3A_485 : i1
        %and3A_487 = arith.andi %ne3A_486, %ne3A_481 : i1
        %add3A_488 = arith.addi %rem3A_479, %select_n3A_478 : i32
        %select_n3A_489 = arith.select %and3A_487, %add3A_488, %rem3A_479 : i32
        %mul3A_490 = arith.constant 256 : i32
        %mul3A_491 = arith.muli %select_n3A_489, %mul3A_490 : i32
        %add3A_492 = arith.addi %mul3A_474, %mul3A_491 : i32
        %mul3A_493 = arith.constant 1 : i32
        %mul3A_494 = arith.muli %add3A_492, %mul3A_493 : i32
        %dma_start3A_495 = arith.constant 0 : i32
        %dma_start3A_496 = tpu.memref_slice %arg0[%mul3A_494, %dma_start3A_495] : memref<32768x2048xf32, #tpu.memory_space<hbm>> -> memref<256x2048xf32, #tpu.memory_space<hbm>>
        tpu.enqueue_dma source(%dma_start3A_496 : memref<256x2048xf32, #tpu.memory_space<hbm>>) target(%arg4 : memref<256x2048xf32, #tpu.memory_space<vmem>>) target_semaphore(%arg13 : memref<!tpu.dma_semaphore, #tpu.memory_space<semaphore_mem>>)
      } else {
      }
      %mul3A_182 = arith.constant 8 : i32
      %mul3A_183 = arith.muli %mul3A_182, %scan3A_36 : i32
      %add3A_184 = arith.constant 3 : i32
      %add3A_185 = arith.addi %mul3A_183, %add3A_184 : i32
      %dma_wait3A_186 = arith.constant 0 : i32
      %dma_wait3A_187 = arith.constant 0 : i32
      %dma_wait3A_188 = tpu.memref_slice %arg0[%dma_wait3A_186, %dma_wait3A_187] : memref<32768x2048xf32, #tpu.memory_space<hbm>> -> memref<256x2048xf32, #tpu.memory_space<hbm>>
      tpu.wait_dma2 semaphore(%arg14 : memref<!tpu.dma_semaphore, #tpu.memory_space<semaphore_mem>>) src(%dma_wait3A_188 : memref<256x2048xf32, #tpu.memory_space<hbm>>) dst(%arg5 : memref<256x2048xf32, #tpu.memory_space<vmem>>)
      %get3A_189 = arith.constant 0 : index
      %get3A_190 = arith.constant 0 : index
      %get3A_191 = vector.load %arg5[%get3A_189, %get3A_190] : memref<256x2048xf32, #tpu.memory_space<vmem>>, vector<256x2048xf32>
      %reshape3A_192 = vector.shape_cast %get3A_191 : vector<256x2048xf32> to vector<32x8x2048xf32>
      %reduce_sum3A_193 = arith.constant dense<0.000000e+00> : vector<8x2048xf32>
      %reduce_sum3A_194 = vector.multi_reduction <add>, %reshape3A_192, %reduce_sum3A_193 [0] : vector<32x8x2048xf32> to vector<8x2048xf32>
      %jit3A_195 = arith.constant 24 : i32
      %div3A_196 = arith.divsi %add3A_185, %jit3A_195 : i32
      %sign3A_197 = arith.constant 0 : i32
      %sign3A_198 = arith.cmpi sgt, %add3A_185, %sign3A_197 : i32
      %sign3A_199 = arith.extui %sign3A_198 : i1 to i32
      %sign3A_200 = arith.constant 0 : i32
      %sign3A_201 = arith.cmpi slt, %add3A_185, %sign3A_200 : i32
      %sign3A_202 = arith.extui %sign3A_201 : i1 to i32
      %sign3A_203 = arith.subi %sign3A_199, %sign3A_202 : i32
      %sign3A_204 = arith.constant 0 : i32
      %sign3A_205 = arith.cmpi sgt, %jit3A_195, %sign3A_204 : i32
      %sign3A_206 = arith.extui %sign3A_205 : i1 to i32
      %sign3A_207 = arith.constant 0 : i32
      %sign3A_208 = arith.cmpi slt, %jit3A_195, %sign3A_207 : i32
      %sign3A_209 = arith.extui %sign3A_208 : i1 to i32
      %sign3A_210 = arith.subi %sign3A_206, %sign3A_209 : i32
      %ne3A_211 = arith.cmpi ne, %sign3A_203, %sign3A_210 : i32
      %rem3A_212 = arith.remsi %add3A_185, %jit3A_195 : i32
      %ne3A_213 = arith.constant 0 : i32
      %ne3A_214 = arith.cmpi ne, %rem3A_212, %ne3A_213 : i32
      %and3A_215 = arith.andi %ne3A_211, %ne3A_214 : i1
      %sub3A_216 = arith.constant 1 : i32
      %sub3A_217 = arith.subi %div3A_196, %sub3A_216 : i32
      %select_n3A_218 = arith.select %and3A_215, %sub3A_217, %div3A_196 : i32
      %mul3A_219 = arith.constant 8 : i32
      %mul3A_220 = arith.muli %select_n3A_218, %mul3A_219 : i32
      %get3A_221 = arith.index_cast %mul3A_220 : i32 to index
      %get3A_222 = arith.constant 0 : index
      %get3A_223 = vector.load %arg10[%get3A_221, %get3A_222] : memref<32x2048xf32, #tpu.memory_space<vmem>>, vector<8x2048xf32>
      %add3A_224 = arith.addf %get3A_223, %reduce_sum3A_194 : vector<8x2048xf32>
      %swap3A_225 = arith.index_cast %mul3A_220 : i32 to index
      %swap3A_226 = arith.constant 0 : index
      %swap3A_227 = vector.load %arg10[%swap3A_225, %swap3A_226] : memref<32x2048xf32, #tpu.memory_space<vmem>>, vector<8x2048xf32>
      tpu.vector_store %arg10[%swap3A_225, %swap3A_226], %add3A_224 {strides = array<i32>} : memref<32x2048xf32, #tpu.memory_space<vmem>>, vector<8x2048xf32>,
      %add3A_228 = arith.constant 8 : i32
      %add3A_229 = arith.addi %add3A_185, %add3A_228 : i32
      %lt3A_230 = arith.constant 96 : i32
      %lt3A_231 = arith.cmpi slt, %add3A_229, %lt3A_230 : i32
      %convert_element_type3A_232 = arith.extui %lt3A_231 : i1 to i32
      %cond3A_233 = arith.constant 0 : i32
      %cond3A_234 = arith.cmpi ne, %convert_element_type3A_232, %cond3A_233 : i32
      scf.if %cond3A_234 {
        %add3A_447 = arith.constant 8 : i32
        %add3A_448 = arith.addi %add3A_185, %add3A_447 : i32
        %jit3A_449 = arith.constant 24 : i32
        %div3A_450 = arith.divsi %add3A_448, %jit3A_449 : i32
        %sign3A_451 = arith.constant 0 : i32
        %sign3A_452 = arith.cmpi sgt, %add3A_448, %sign3A_451 : i32
        %sign3A_453 = arith.extui %sign3A_452 : i1 to i32
        %sign3A_454 = arith.constant 0 : i32
        %sign3A_455 = arith.cmpi slt, %add3A_448, %sign3A_454 : i32
        %sign3A_456 = arith.extui %sign3A_455 : i1 to i32
        %sign3A_457 = arith.subi %sign3A_453, %sign3A_456 : i32
        %sign3A_458 = arith.constant 0 : i32
        %sign3A_459 = arith.cmpi sgt, %jit3A_449, %sign3A_458 : i32
        %sign3A_460 = arith.extui %sign3A_459 : i1 to i32
        %sign3A_461 = arith.constant 0 : i32
        %sign3A_462 = arith.cmpi slt, %jit3A_449, %sign3A_461 : i32
        %sign3A_463 = arith.extui %sign3A_462 : i1 to i32
        %sign3A_464 = arith.subi %sign3A_460, %sign3A_463 : i32
        %ne3A_465 = arith.cmpi ne, %sign3A_457, %sign3A_464 : i32
        %rem3A_466 = arith.remsi %add3A_448, %jit3A_449 : i32
        %ne3A_467 = arith.constant 0 : i32
        %ne3A_468 = arith.cmpi ne, %rem3A_466, %ne3A_467 : i32
        %and3A_469 = arith.andi %ne3A_465, %ne3A_468 : i1
        %sub3A_470 = arith.constant 1 : i32
        %sub3A_471 = arith.subi %div3A_450, %sub3A_470 : i32
        %select_n3A_472 = arith.select %and3A_469, %sub3A_471, %div3A_450 : i32
        %mul3A_473 = arith.constant 8192 : i32
        %mul3A_474 = arith.muli %select_n3A_472, %mul3A_473 : i32
        %jit3A_475 = arith.constant 24 : i32
        %eq3A = arith.constant 0 : i32
        %eq3A_476 = arith.cmpi eq, %jit3A_475, %eq3A : i32
        %jit3A_477 = arith.constant 1 : i32
        %select_n3A_478 = arith.select %eq3A_476, %jit3A_477, %jit3A_475 : i32
        %rem3A_479 = arith.remsi %add3A_448, %select_n3A_478 : i32
        %ne3A_480 = arith.constant 0 : i32
        %ne3A_481 = arith.cmpi ne, %rem3A_479, %ne3A_480 : i32
        %lt3A_482 = arith.constant 0 : i32
        %lt3A_483 = arith.cmpi slt, %rem3A_479, %lt3A_482 : i32
        %lt3A_484 = arith.constant 0 : i32
        %lt3A_485 = arith.cmpi slt, %select_n3A_478, %lt3A_484 : i32
        %ne3A_486 = arith.xori %lt3A_483, %lt3A_485 : i1
        %and3A_487 = arith.andi %ne3A_486, %ne3A_481 : i1
        %add3A_488 = arith.addi %rem3A_479, %select_n3A_478 : i32
        %select_n3A_489 = arith.select %and3A_487, %add3A_488, %rem3A_479 : i32
        %mul3A_490 = arith.constant 256 : i32
        %mul3A_491 = arith.muli %select_n3A_489, %mul3A_490 : i32
        %add3A_492 = arith.addi %mul3A_474, %mul3A_491 : i32
        %mul3A_493 = arith.constant 1 : i32
        %mul3A_494 = arith.muli %add3A_492, %mul3A_493 : i32
        %dma_start3A_495 = arith.constant 0 : i32
        %dma_start3A_496 = tpu.memref_slice %arg0[%mul3A_494, %dma_start3A_495] : memref<32768x2048xf32, #tpu.memory_space<hbm>> -> memref<256x2048xf32, #tpu.memory_space<hbm>>
        tpu.enqueue_dma source(%dma_start3A_496 : memref<256x2048xf32, #tpu.memory_space<hbm>>) target(%arg5 : memref<256x2048xf32, #tpu.memory_space<vmem>>) target_semaphore(%arg14 : memref<!tpu.dma_semaphore, #tpu.memory_space<semaphore_mem>>)
      } else {
      }
      %mul3A_235 = arith.constant 8 : i32
      %mul3A_236 = arith.muli %mul3A_235, %scan3A_36 : i32
      %add3A_237 = arith.constant 4 : i32
      %add3A_238 = arith.addi %mul3A_236, %add3A_237 : i32
      %dma_wait3A_239 = arith.constant 0 : i32
      %dma_wait3A_240 = arith.constant 0 : i32
      %dma_wait3A_241 = tpu.memref_slice %arg0[%dma_wait3A_239, %dma_wait3A_240] : memref<32768x2048xf32, #tpu.memory_space<hbm>> -> memref<256x2048xf32, #tpu.memory_space<hbm>>
      tpu.wait_dma2 semaphore(%arg15 : memref<!tpu.dma_semaphore, #tpu.memory_space<semaphore_mem>>) src(%dma_wait3A_241 : memref<256x2048xf32, #tpu.memory_space<hbm>>) dst(%arg6 : memref<256x2048xf32, #tpu.memory_space<vmem>>)
      %get3A_242 = arith.constant 0 : index
      %get3A_243 = arith.constant 0 : index
      %get3A_244 = vector.load %arg6[%get3A_242, %get3A_243] : memref<256x2048xf32, #tpu.memory_space<vmem>>, vector<256x2048xf32>
      %reshape3A_245 = vector.shape_cast %get3A_244 : vector<256x2048xf32> to vector<32x8x2048xf32>
      %reduce_sum3A_246 = arith.constant dense<0.000000e+00> : vector<8x2048xf32>
      %reduce_sum3A_247 = vector.multi_reduction <add>, %reshape3A_245, %reduce_sum3A_246 [0] : vector<32x8x2048xf32> to vector<8x2048xf32>
      %jit3A_248 = arith.constant 24 : i32
      %div3A_249 = arith.divsi %add3A_238, %jit3A_248 : i32
      %sign3A_250 = arith.constant 0 : i32
      %sign3A_251 = arith.cmpi sgt, %add3A_238, %sign3A_250 : i32
      %sign3A_252 = arith.extui %sign3A_251 : i1 to i32
      %sign3A_253 = arith.constant 0 : i32
      %sign3A_254 = arith.cmpi slt, %add3A_238, %sign3A_253 : i32
      %sign3A_255 = arith.extui %sign3A_254 : i1 to i32
      %sign3A_256 = arith.subi %sign3A_252, %sign3A_255 : i32
      %sign3A_257 = arith.constant 0 : i32
      %sign3A_258 = arith.cmpi sgt, %jit3A_248, %sign3A_257 : i32
      %sign3A_259 = arith.extui %sign3A_258 : i1 to i32
      %sign3A_260 = arith.constant 0 : i32
      %sign3A_261 = arith.cmpi slt, %jit3A_248, %sign3A_260 : i32
      %sign3A_262 = arith.extui %sign3A_261 : i1 to i32
      %sign3A_263 = arith.subi %sign3A_259, %sign3A_262 : i32
      %ne3A_264 = arith.cmpi ne, %sign3A_256, %sign3A_263 : i32
      %rem3A_265 = arith.remsi %add3A_238, %jit3A_248 : i32
      %ne3A_266 = arith.constant 0 : i32
      %ne3A_267 = arith.cmpi ne, %rem3A_265, %ne3A_266 : i32
      %and3A_268 = arith.andi %ne3A_264, %ne3A_267 : i1
      %sub3A_269 = arith.constant 1 : i32
      %sub3A_270 = arith.subi %div3A_249, %sub3A_269 : i32
      %select_n3A_271 = arith.select %and3A_268, %sub3A_270, %div3A_249 : i32
      %mul3A_272 = arith.constant 8 : i32
      %mul3A_273 = arith.muli %select_n3A_271, %mul3A_272 : i32
      %get3A_274 = arith.index_cast %mul3A_273 : i32 to index
      %get3A_275 = arith.constant 0 : index
      %get3A_276 = vector.load %arg10[%get3A_274, %get3A_275] : memref<32x2048xf32, #tpu.memory_space<vmem>>, vector<8x2048xf32>
      %add3A_277 = arith.addf %get3A_276, %reduce_sum3A_247 : vector<8x2048xf32>
      %swap3A_278 = arith.index_cast %mul3A_273 : i32 to index
      %swap3A_279 = arith.constant 0 : index
      %swap3A_280 = vector.load %arg10[%swap3A_278, %swap3A_279] : memref<32x2048xf32, #tpu.memory_space<vmem>>, vector<8x2048xf32>
      tpu.vector_store %arg10[%swap3A_278, %swap3A_279], %add3A_277 {strides = array<i32>} : memref<32x2048xf32, #tpu.memory_space<vmem>>, vector<8x2048xf32>,
      %add3A_281 = arith.constant 8 : i32
      %add3A_282 = arith.addi %add3A_238, %add3A_281 : i32
      %lt3A_283 = arith.constant 96 : i32
      %lt3A_284 = arith.cmpi slt, %add3A_282, %lt3A_283 : i32
      %convert_element_type3A_285 = arith.extui %lt3A_284 : i1 to i32
      %cond3A_286 = arith.constant 0 : i32
      %cond3A_287 = arith.cmpi ne, %convert_element_type3A_285, %cond3A_286 : i32
      scf.if %cond3A_287 {
        %add3A_447 = arith.constant 8 : i32
        %add3A_448 = arith.addi %add3A_238, %add3A_447 : i32
        %jit3A_449 = arith.constant 24 : i32
        %div3A_450 = arith.divsi %add3A_448, %jit3A_449 : i32
        %sign3A_451 = arith.constant 0 : i32
        %sign3A_452 = arith.cmpi sgt, %add3A_448, %sign3A_451 : i32
        %sign3A_453 = arith.extui %sign3A_452 : i1 to i32
        %sign3A_454 = arith.constant 0 : i32
        %sign3A_455 = arith.cmpi slt, %add3A_448, %sign3A_454 : i32
        %sign3A_456 = arith.extui %sign3A_455 : i1 to i32
        %sign3A_457 = arith.subi %sign3A_453, %sign3A_456 : i32
        %sign3A_458 = arith.constant 0 : i32
        %sign3A_459 = arith.cmpi sgt, %jit3A_449, %sign3A_458 : i32
        %sign3A_460 = arith.extui %sign3A_459 : i1 to i32
        %sign3A_461 = arith.constant 0 : i32
        %sign3A_462 = arith.cmpi slt, %jit3A_449, %sign3A_461 : i32
        %sign3A_463 = arith.extui %sign3A_462 : i1 to i32
        %sign3A_464 = arith.subi %sign3A_460, %sign3A_463 : i32
        %ne3A_465 = arith.cmpi ne, %sign3A_457, %sign3A_464 : i32
        %rem3A_466 = arith.remsi %add3A_448, %jit3A_449 : i32
        %ne3A_467 = arith.constant 0 : i32
        %ne3A_468 = arith.cmpi ne, %rem3A_466, %ne3A_467 : i32
        %and3A_469 = arith.andi %ne3A_465, %ne3A_468 : i1
        %sub3A_470 = arith.constant 1 : i32
        %sub3A_471 = arith.subi %div3A_450, %sub3A_470 : i32
        %select_n3A_472 = arith.select %and3A_469, %sub3A_471, %div3A_450 : i32
        %mul3A_473 = arith.constant 8192 : i32
        %mul3A_474 = arith.muli %select_n3A_472, %mul3A_473 : i32
        %jit3A_475 = arith.constant 24 : i32
        %eq3A = arith.constant 0 : i32
        %eq3A_476 = arith.cmpi eq, %jit3A_475, %eq3A : i32
        %jit3A_477 = arith.constant 1 : i32
        %select_n3A_478 = arith.select %eq3A_476, %jit3A_477, %jit3A_475 : i32
        %rem3A_479 = arith.remsi %add3A_448, %select_n3A_478 : i32
        %ne3A_480 = arith.constant 0 : i32
        %ne3A_481 = arith.cmpi ne, %rem3A_479, %ne3A_480 : i32
        %lt3A_482 = arith.constant 0 : i32
        %lt3A_483 = arith.cmpi slt, %rem3A_479, %lt3A_482 : i32
        %lt3A_484 = arith.constant 0 : i32
        %lt3A_485 = arith.cmpi slt, %select_n3A_478, %lt3A_484 : i32
        %ne3A_486 = arith.xori %lt3A_483, %lt3A_485 : i1
        %and3A_487 = arith.andi %ne3A_486, %ne3A_481 : i1
        %add3A_488 = arith.addi %rem3A_479, %select_n3A_478 : i32
        %select_n3A_489 = arith.select %and3A_487, %add3A_488, %rem3A_479 : i32
        %mul3A_490 = arith.constant 256 : i32
        %mul3A_491 = arith.muli %select_n3A_489, %mul3A_490 : i32
        %add3A_492 = arith.addi %mul3A_474, %mul3A_491 : i32
        %mul3A_493 = arith.constant 1 : i32
        %mul3A_494 = arith.muli %add3A_492, %mul3A_493 : i32
        %dma_start3A_495 = arith.constant 0 : i32
        %dma_start3A_496 = tpu.memref_slice %arg0[%mul3A_494, %dma_start3A_495] : memref<32768x2048xf32, #tpu.memory_space<hbm>> -> memref<256x2048xf32, #tpu.memory_space<hbm>>
        tpu.enqueue_dma source(%dma_start3A_496 : memref<256x2048xf32, #tpu.memory_space<hbm>>) target(%arg6 : memref<256x2048xf32, #tpu.memory_space<vmem>>) target_semaphore(%arg15 : memref<!tpu.dma_semaphore, #tpu.memory_space<semaphore_mem>>)
      } else {
      }
      %mul3A_288 = arith.constant 8 : i32
      %mul3A_289 = arith.muli %mul3A_288, %scan3A_36 : i32
      %add3A_290 = arith.constant 5 : i32
      %add3A_291 = arith.addi %mul3A_289, %add3A_290 : i32
      %dma_wait3A_292 = arith.constant 0 : i32
      %dma_wait3A_293 = arith.constant 0 : i32
      %dma_wait3A_294 = tpu.memref_slice %arg0[%dma_wait3A_292, %dma_wait3A_293] : memref<32768x2048xf32, #tpu.memory_space<hbm>> -> memref<256x2048xf32, #tpu.memory_space<hbm>>
      tpu.wait_dma2 semaphore(%arg16 : memref<!tpu.dma_semaphore, #tpu.memory_space<semaphore_mem>>) src(%dma_wait3A_294 : memref<256x2048xf32, #tpu.memory_space<hbm>>) dst(%arg7 : memref<256x2048xf32, #tpu.memory_space<vmem>>)
      %get3A_295 = arith.constant 0 : index
      %get3A_296 = arith.constant 0 : index
      %get3A_297 = vector.load %arg7[%get3A_295, %get3A_296] : memref<256x2048xf32, #tpu.memory_space<vmem>>, vector<256x2048xf32>
      %reshape3A_298 = vector.shape_cast %get3A_297 : vector<256x2048xf32> to vector<32x8x2048xf32>
      %reduce_sum3A_299 = arith.constant dense<0.000000e+00> : vector<8x2048xf32>
      %reduce_sum3A_300 = vector.multi_reduction <add>, %reshape3A_298, %reduce_sum3A_299 [0] : vector<32x8x2048xf32> to vector<8x2048xf32>
      %jit3A_301 = arith.constant 24 : i32
      %div3A_302 = arith.divsi %add3A_291, %jit3A_301 : i32
      %sign3A_303 = arith.constant 0 : i32
      %sign3A_304 = arith.cmpi sgt, %add3A_291, %sign3A_303 : i32
      %sign3A_305 = arith.extui %sign3A_304 : i1 to i32
      %sign3A_306 = arith.constant 0 : i32
      %sign3A_307 = arith.cmpi slt, %add3A_291, %sign3A_306 : i32
      %sign3A_308 = arith.extui %sign3A_307 : i1 to i32
      %sign3A_309 = arith.subi %sign3A_305, %sign3A_308 : i32
      %sign3A_310 = arith.constant 0 : i32
      %sign3A_311 = arith.cmpi sgt, %jit3A_301, %sign3A_310 : i32
      %sign3A_312 = arith.extui %sign3A_311 : i1 to i32
      %sign3A_313 = arith.constant 0 : i32
      %sign3A_314 = arith.cmpi slt, %jit3A_301, %sign3A_313 : i32
      %sign3A_315 = arith.extui %sign3A_314 : i1 to i32
      %sign3A_316 = arith.subi %sign3A_312, %sign3A_315 : i32
      %ne3A_317 = arith.cmpi ne, %sign3A_309, %sign3A_316 : i32
      %rem3A_318 = arith.remsi %add3A_291, %jit3A_301 : i32
      %ne3A_319 = arith.constant 0 : i32
      %ne3A_320 = arith.cmpi ne, %rem3A_318, %ne3A_319 : i32
      %and3A_321 = arith.andi %ne3A_317, %ne3A_320 : i1
      %sub3A_322 = arith.constant 1 : i32
      %sub3A_323 = arith.subi %div3A_302, %sub3A_322 : i32
      %select_n3A_324 = arith.select %and3A_321, %sub3A_323, %div3A_302 : i32
      %mul3A_325 = arith.constant 8 : i32
      %mul3A_326 = arith.muli %select_n3A_324, %mul3A_325 : i32
      %get3A_327 = arith.index_cast %mul3A_326 : i32 to index
      %get3A_328 = arith.constant 0 : index
      %get3A_329 = vector.load %arg10[%get3A_327, %get3A_328] : memref<32x2048xf32, #tpu.memory_space<vmem>>, vector<8x2048xf32>
      %add3A_330 = arith.addf %get3A_329, %reduce_sum3A_300 : vector<8x2048xf32>
      %swap3A_331 = arith.index_cast %mul3A_326 : i32 to index
      %swap3A_332 = arith.constant 0 : index
      %swap3A_333 = vector.load %arg10[%swap3A_331, %swap3A_332] : memref<32x2048xf32, #tpu.memory_space<vmem>>, vector<8x2048xf32>
      tpu.vector_store %arg10[%swap3A_331, %swap3A_332], %add3A_330 {strides = array<i32>} : memref<32x2048xf32, #tpu.memory_space<vmem>>, vector<8x2048xf32>,
      %add3A_334 = arith.constant 8 : i32
      %add3A_335 = arith.addi %add3A_291, %add3A_334 : i32
      %lt3A_336 = arith.constant 96 : i32
      %lt3A_337 = arith.cmpi slt, %add3A_335, %lt3A_336 : i32
      %convert_element_type3A_338 = arith.extui %lt3A_337 : i1 to i32
      %cond3A_339 = arith.constant 0 : i32
      %cond3A_340 = arith.cmpi ne, %convert_element_type3A_338, %cond3A_339 : i32
      scf.if %cond3A_340 {
        %add3A_447 = arith.constant 8 : i32
        %add3A_448 = arith.addi %add3A_291, %add3A_447 : i32
        %jit3A_449 = arith.constant 24 : i32
        %div3A_450 = arith.divsi %add3A_448, %jit3A_449 : i32
        %sign3A_451 = arith.constant 0 : i32
        %sign3A_452 = arith.cmpi sgt, %add3A_448, %sign3A_451 : i32
        %sign3A_453 = arith.extui %sign3A_452 : i1 to i32
        %sign3A_454 = arith.constant 0 : i32
        %sign3A_455 = arith.cmpi slt, %add3A_448, %sign3A_454 : i32
        %sign3A_456 = arith.extui %sign3A_455 : i1 to i32
        %sign3A_457 = arith.subi %sign3A_453, %sign3A_456 : i32
        %sign3A_458 = arith.constant 0 : i32
        %sign3A_459 = arith.cmpi sgt, %jit3A_449, %sign3A_458 : i32
        %sign3A_460 = arith.extui %sign3A_459 : i1 to i32
        %sign3A_461 = arith.constant 0 : i32
        %sign3A_462 = arith.cmpi slt, %jit3A_449, %sign3A_461 : i32
        %sign3A_463 = arith.extui %sign3A_462 : i1 to i32
        %sign3A_464 = arith.subi %sign3A_460, %sign3A_463 : i32
        %ne3A_465 = arith.cmpi ne, %sign3A_457, %sign3A_464 : i32
        %rem3A_466 = arith.remsi %add3A_448, %jit3A_449 : i32
        %ne3A_467 = arith.constant 0 : i32
        %ne3A_468 = arith.cmpi ne, %rem3A_466, %ne3A_467 : i32
        %and3A_469 = arith.andi %ne3A_465, %ne3A_468 : i1
        %sub3A_470 = arith.constant 1 : i32
        %sub3A_471 = arith.subi %div3A_450, %sub3A_470 : i32
        %select_n3A_472 = arith.select %and3A_469, %sub3A_471, %div3A_450 : i32
        %mul3A_473 = arith.constant 8192 : i32
        %mul3A_474 = arith.muli %select_n3A_472, %mul3A_473 : i32
        %jit3A_475 = arith.constant 24 : i32
        %eq3A = arith.constant 0 : i32
        %eq3A_476 = arith.cmpi eq, %jit3A_475, %eq3A : i32
        %jit3A_477 = arith.constant 1 : i32
        %select_n3A_478 = arith.select %eq3A_476, %jit3A_477, %jit3A_475 : i32
        %rem3A_479 = arith.remsi %add3A_448, %select_n3A_478 : i32
        %ne3A_480 = arith.constant 0 : i32
        %ne3A_481 = arith.cmpi ne, %rem3A_479, %ne3A_480 : i32
        %lt3A_482 = arith.constant 0 : i32
        %lt3A_483 = arith.cmpi slt, %rem3A_479, %lt3A_482 : i32
        %lt3A_484 = arith.constant 0 : i32
        %lt3A_485 = arith.cmpi slt, %select_n3A_478, %lt3A_484 : i32
        %ne3A_486 = arith.xori %lt3A_483, %lt3A_485 : i1
        %and3A_487 = arith.andi %ne3A_486, %ne3A_481 : i1
        %add3A_488 = arith.addi %rem3A_479, %select_n3A_478 : i32
        %select_n3A_489 = arith.select %and3A_487, %add3A_488, %rem3A_479 : i32
        %mul3A_490 = arith.constant 256 : i32
        %mul3A_491 = arith.muli %select_n3A_489, %mul3A_490 : i32
        %add3A_492 = arith.addi %mul3A_474, %mul3A_491 : i32
        %mul3A_493 = arith.constant 1 : i32
        %mul3A_494 = arith.muli %add3A_492, %mul3A_493 : i32
        %dma_start3A_495 = arith.constant 0 : i32
        %dma_start3A_496 = tpu.memref_slice %arg0[%mul3A_494, %dma_start3A_495] : memref<32768x2048xf32, #tpu.memory_space<hbm>> -> memref<256x2048xf32, #tpu.memory_space<hbm>>
        tpu.enqueue_dma source(%dma_start3A_496 : memref<256x2048xf32, #tpu.memory_space<hbm>>) target(%arg7 : memref<256x2048xf32, #tpu.memory_space<vmem>>) target_semaphore(%arg16 : memref<!tpu.dma_semaphore, #tpu.memory_space<semaphore_mem>>)
      } else {
      }
      %mul3A_341 = arith.constant 8 : i32
      %mul3A_342 = arith.muli %mul3A_341, %scan3A_36 : i32
      %add3A_343 = arith.constant 6 : i32
      %add3A_344 = arith.addi %mul3A_342, %add3A_343 : i32
      %dma_wait3A_345 = arith.constant 0 : i32
      %dma_wait3A_346 = arith.constant 0 : i32
      %dma_wait3A_347 = tpu.memref_slice %arg0[%dma_wait3A_345, %dma_wait3A_346] : memref<32768x2048xf32, #tpu.memory_space<hbm>> -> memref<256x2048xf32, #tpu.memory_space<hbm>>
      tpu.wait_dma2 semaphore(%arg17 : memref<!tpu.dma_semaphore, #tpu.memory_space<semaphore_mem>>) src(%dma_wait3A_347 : memref<256x2048xf32, #tpu.memory_space<hbm>>) dst(%arg8 : memref<256x2048xf32, #tpu.memory_space<vmem>>)
      %get3A_348 = arith.constant 0 : index
      %get3A_349 = arith.constant 0 : index
      %get3A_350 = vector.load %arg8[%get3A_348, %get3A_349] : memref<256x2048xf32, #tpu.memory_space<vmem>>, vector<256x2048xf32>
      %reshape3A_351 = vector.shape_cast %get3A_350 : vector<256x2048xf32> to vector<32x8x2048xf32>
      %reduce_sum3A_352 = arith.constant dense<0.000000e+00> : vector<8x2048xf32>
      %reduce_sum3A_353 = vector.multi_reduction <add>, %reshape3A_351, %reduce_sum3A_352 [0] : vector<32x8x2048xf32> to vector<8x2048xf32>
      %jit3A_354 = arith.constant 24 : i32
      %div3A_355 = arith.divsi %add3A_344, %jit3A_354 : i32
      %sign3A_356 = arith.constant 0 : i32
      %sign3A_357 = arith.cmpi sgt, %add3A_344, %sign3A_356 : i32
      %sign3A_358 = arith.extui %sign3A_357 : i1 to i32
      %sign3A_359 = arith.constant 0 : i32
      %sign3A_360 = arith.cmpi slt, %add3A_344, %sign3A_359 : i32
      %sign3A_361 = arith.extui %sign3A_360 : i1 to i32
      %sign3A_362 = arith.subi %sign3A_358, %sign3A_361 : i32
      %sign3A_363 = arith.constant 0 : i32
      %sign3A_364 = arith.cmpi sgt, %jit3A_354, %sign3A_363 : i32
      %sign3A_365 = arith.extui %sign3A_364 : i1 to i32
      %sign3A_366 = arith.constant 0 : i32
      %sign3A_367 = arith.cmpi slt, %jit3A_354, %sign3A_366 : i32
      %sign3A_368 = arith.extui %sign3A_367 : i1 to i32
      %sign3A_369 = arith.subi %sign3A_365, %sign3A_368 : i32
      %ne3A_370 = arith.cmpi ne, %sign3A_362, %sign3A_369 : i32
      %rem3A_371 = arith.remsi %add3A_344, %jit3A_354 : i32
      %ne3A_372 = arith.constant 0 : i32
      %ne3A_373 = arith.cmpi ne, %rem3A_371, %ne3A_372 : i32
      %and3A_374 = arith.andi %ne3A_370, %ne3A_373 : i1
      %sub3A_375 = arith.constant 1 : i32
      %sub3A_376 = arith.subi %div3A_355, %sub3A_375 : i32
      %select_n3A_377 = arith.select %and3A_374, %sub3A_376, %div3A_355 : i32
      %mul3A_378 = arith.constant 8 : i32
      %mul3A_379 = arith.muli %select_n3A_377, %mul3A_378 : i32
      %get3A_380 = arith.index_cast %mul3A_379 : i32 to index
      %get3A_381 = arith.constant 0 : index
      %get3A_382 = vector.load %arg10[%get3A_380, %get3A_381] : memref<32x2048xf32, #tpu.memory_space<vmem>>, vector<8x2048xf32>
      %add3A_383 = arith.addf %get3A_382, %reduce_sum3A_353 : vector<8x2048xf32>
      %swap3A_384 = arith.index_cast %mul3A_379 : i32 to index
      %swap3A_385 = arith.constant 0 : index
      %swap3A_386 = vector.load %arg10[%swap3A_384, %swap3A_385] : memref<32x2048xf32, #tpu.memory_space<vmem>>, vector<8x2048xf32>
      tpu.vector_store %arg10[%swap3A_384, %swap3A_385], %add3A_383 {strides = array<i32>} : memref<32x2048xf32, #tpu.memory_space<vmem>>, vector<8x2048xf32>,
      %add3A_387 = arith.constant 8 : i32
      %add3A_388 = arith.addi %add3A_344, %add3A_387 : i32
      %lt3A_389 = arith.constant 96 : i32
      %lt3A_390 = arith.cmpi slt, %add3A_388, %lt3A_389 : i32
      %convert_element_type3A_391 = arith.extui %lt3A_390 : i1 to i32
      %cond3A_392 = arith.constant 0 : i32
      %cond3A_393 = arith.cmpi ne, %convert_element_type3A_391, %cond3A_392 : i32
      scf.if %cond3A_393 {
        %add3A_447 = arith.constant 8 : i32
        %add3A_448 = arith.addi %add3A_344, %add3A_447 : i32
        %jit3A_449 = arith.constant 24 : i32
        %div3A_450 = arith.divsi %add3A_448, %jit3A_449 : i32
        %sign3A_451 = arith.constant 0 : i32
        %sign3A_452 = arith.cmpi sgt, %add3A_448, %sign3A_451 : i32
        %sign3A_453 = arith.extui %sign3A_452 : i1 to i32
        %sign3A_454 = arith.constant 0 : i32
        %sign3A_455 = arith.cmpi slt, %add3A_448, %sign3A_454 : i32
        %sign3A_456 = arith.extui %sign3A_455 : i1 to i32
        %sign3A_457 = arith.subi %sign3A_453, %sign3A_456 : i32
        %sign3A_458 = arith.constant 0 : i32
        %sign3A_459 = arith.cmpi sgt, %jit3A_449, %sign3A_458 : i32
        %sign3A_460 = arith.extui %sign3A_459 : i1 to i32
        %sign3A_461 = arith.constant 0 : i32
        %sign3A_462 = arith.cmpi slt, %jit3A_449, %sign3A_461 : i32
        %sign3A_463 = arith.extui %sign3A_462 : i1 to i32
        %sign3A_464 = arith.subi %sign3A_460, %sign3A_463 : i32
        %ne3A_465 = arith.cmpi ne, %sign3A_457, %sign3A_464 : i32
        %rem3A_466 = arith.remsi %add3A_448, %jit3A_449 : i32
        %ne3A_467 = arith.constant 0 : i32
        %ne3A_468 = arith.cmpi ne, %rem3A_466, %ne3A_467 : i32
        %and3A_469 = arith.andi %ne3A_465, %ne3A_468 : i1
        %sub3A_470 = arith.constant 1 : i32
        %sub3A_471 = arith.subi %div3A_450, %sub3A_470 : i32
        %select_n3A_472 = arith.select %and3A_469, %sub3A_471, %div3A_450 : i32
        %mul3A_473 = arith.constant 8192 : i32
        %mul3A_474 = arith.muli %select_n3A_472, %mul3A_473 : i32
        %jit3A_475 = arith.constant 24 : i32
        %eq3A = arith.constant 0 : i32
        %eq3A_476 = arith.cmpi eq, %jit3A_475, %eq3A : i32
        %jit3A_477 = arith.constant 1 : i32
        %select_n3A_478 = arith.select %eq3A_476, %jit3A_477, %jit3A_475 : i32
        %rem3A_479 = arith.remsi %add3A_448, %select_n3A_478 : i32
        %ne3A_480 = arith.constant 0 : i32
        %ne3A_481 = arith.cmpi ne, %rem3A_479, %ne3A_480 : i32
        %lt3A_482 = arith.constant 0 : i32
        %lt3A_483 = arith.cmpi slt, %rem3A_479, %lt3A_482 : i32
        %lt3A_484 = arith.constant 0 : i32
        %lt3A_485 = arith.cmpi slt, %select_n3A_478, %lt3A_484 : i32
        %ne3A_486 = arith.xori %lt3A_483, %lt3A_485 : i1
        %and3A_487 = arith.andi %ne3A_486, %ne3A_481 : i1
        %add3A_488 = arith.addi %rem3A_479, %select_n3A_478 : i32
        %select_n3A_489 = arith.select %and3A_487, %add3A_488, %rem3A_479 : i32
        %mul3A_490 = arith.constant 256 : i32
        %mul3A_491 = arith.muli %select_n3A_489, %mul3A_490 : i32
        %add3A_492 = arith.addi %mul3A_474, %mul3A_491 : i32
        %mul3A_493 = arith.constant 1 : i32
        %mul3A_494 = arith.muli %add3A_492, %mul3A_493 : i32
        %dma_start3A_495 = arith.constant 0 : i32
        %dma_start3A_496 = tpu.memref_slice %arg0[%mul3A_494, %dma_start3A_495] : memref<32768x2048xf32, #tpu.memory_space<hbm>> -> memref<256x2048xf32, #tpu.memory_space<hbm>>
        tpu.enqueue_dma source(%dma_start3A_496 : memref<256x2048xf32, #tpu.memory_space<hbm>>) target(%arg8 : memref<256x2048xf32, #tpu.memory_space<vmem>>) target_semaphore(%arg17 : memref<!tpu.dma_semaphore, #tpu.memory_space<semaphore_mem>>)
      } else {
      }
      %mul3A_394 = arith.constant 8 : i32
      %mul3A_395 = arith.muli %mul3A_394, %scan3A_36 : i32
      %add3A_396 = arith.constant 7 : i32
      %add3A_397 = arith.addi %mul3A_395, %add3A_396 : i32
      %dma_wait3A_398 = arith.constant 0 : i32
      %dma_wait3A_399 = arith.constant 0 : i32
      %dma_wait3A_400 = tpu.memref_slice %arg0[%dma_wait3A_398, %dma_wait3A_399] : memref<32768x2048xf32, #tpu.memory_space<hbm>> -> memref<256x2048xf32, #tpu.memory_space<hbm>>
      tpu.wait_dma2 semaphore(%arg18 : memref<!tpu.dma_semaphore, #tpu.memory_space<semaphore_mem>>) src(%dma_wait3A_400 : memref<256x2048xf32, #tpu.memory_space<hbm>>) dst(%arg9 : memref<256x2048xf32, #tpu.memory_space<vmem>>)
      %get3A_401 = arith.constant 0 : index
      %get3A_402 = arith.constant 0 : index
      %get3A_403 = vector.load %arg9[%get3A_401, %get3A_402] : memref<256x2048xf32, #tpu.memory_space<vmem>>, vector<256x2048xf32>
      %reshape3A_404 = vector.shape_cast %get3A_403 : vector<256x2048xf32> to vector<32x8x2048xf32>
      %reduce_sum3A_405 = arith.constant dense<0.000000e+00> : vector<8x2048xf32>
      %reduce_sum3A_406 = vector.multi_reduction <add>, %reshape3A_404, %reduce_sum3A_405 [0] : vector<32x8x2048xf32> to vector<8x2048xf32>
      %jit3A_407 = arith.constant 24 : i32
      %div3A_408 = arith.divsi %add3A_397, %jit3A_407 : i32
      %sign3A_409 = arith.constant 0 : i32
      %sign3A_410 = arith.cmpi sgt, %add3A_397, %sign3A_409 : i32
      %sign3A_411 = arith.extui %sign3A_410 : i1 to i32
      %sign3A_412 = arith.constant 0 : i32
      %sign3A_413 = arith.cmpi slt, %add3A_397, %sign3A_412 : i32
      %sign3A_414 = arith.extui %sign3A_413 : i1 to i32
      %sign3A_415 = arith.subi %sign3A_411, %sign3A_414 : i32
      %sign3A_416 = arith.constant 0 : i32
      %sign3A_417 = arith.cmpi sgt, %jit3A_407, %sign3A_416 : i32
      %sign3A_418 = arith.extui %sign3A_417 : i1 to i32
      %sign3A_419 = arith.constant 0 : i32
      %sign3A_420 = arith.cmpi slt, %jit3A_407, %sign3A_419 : i32
      %sign3A_421 = arith.extui %sign3A_420 : i1 to i32
      %sign3A_422 = arith.subi %sign3A_418, %sign3A_421 : i32
      %ne3A_423 = arith.cmpi ne, %sign3A_415, %sign3A_422 : i32
      %rem3A_424 = arith.remsi %add3A_397, %jit3A_407 : i32
      %ne3A_425 = arith.constant 0 : i32
      %ne3A_426 = arith.cmpi ne, %rem3A_424, %ne3A_425 : i32
      %and3A_427 = arith.andi %ne3A_423, %ne3A_426 : i1
      %sub3A_428 = arith.constant 1 : i32
      %sub3A_429 = arith.subi %div3A_408, %sub3A_428 : i32
      %select_n3A_430 = arith.select %and3A_427, %sub3A_429, %div3A_408 : i32
      %mul3A_431 = arith.constant 8 : i32
      %mul3A_432 = arith.muli %select_n3A_430, %mul3A_431 : i32
      %get3A_433 = arith.index_cast %mul3A_432 : i32 to index
      %get3A_434 = arith.constant 0 : index
      %get3A_435 = vector.load %arg10[%get3A_433, %get3A_434] : memref<32x2048xf32, #tpu.memory_space<vmem>>, vector<8x2048xf32>
      %add3A_436 = arith.addf %get3A_435, %reduce_sum3A_406 : vector<8x2048xf32>
      %swap3A_437 = arith.index_cast %mul3A_432 : i32 to index
      %swap3A_438 = arith.constant 0 : index
      %swap3A_439 = vector.load %arg10[%swap3A_437, %swap3A_438] : memref<32x2048xf32, #tpu.memory_space<vmem>>, vector<8x2048xf32>
      tpu.vector_store %arg10[%swap3A_437, %swap3A_438], %add3A_436 {strides = array<i32>} : memref<32x2048xf32, #tpu.memory_space<vmem>>, vector<8x2048xf32>,
      %add3A_440 = arith.constant 8 : i32
      %add3A_441 = arith.addi %add3A_397, %add3A_440 : i32
      %lt3A_442 = arith.constant 96 : i32
      %lt3A_443 = arith.cmpi slt, %add3A_441, %lt3A_442 : i32
      %convert_element_type3A_444 = arith.extui %lt3A_443 : i1 to i32
      %cond3A_445 = arith.constant 0 : i32
      %cond3A_446 = arith.cmpi ne, %convert_element_type3A_444, %cond3A_445 : i32
      scf.if %cond3A_446 {
        %add3A_447 = arith.constant 8 : i32
        %add3A_448 = arith.addi %add3A_397, %add3A_447 : i32
        %jit3A_449 = arith.constant 24 : i32
        %div3A_450 = arith.divsi %add3A_448, %jit3A_449 : i32
        %sign3A_451 = arith.constant 0 : i32
        %sign3A_452 = arith.cmpi sgt, %add3A_448, %sign3A_451 : i32
        %sign3A_453 = arith.extui %sign3A_452 : i1 to i32
        %sign3A_454 = arith.constant 0 : i32
        %sign3A_455 = arith.cmpi slt, %add3A_448, %sign3A_454 : i32
        %sign3A_456 = arith.extui %sign3A_455 : i1 to i32
        %sign3A_457 = arith.subi %sign3A_453, %sign3A_456 : i32
        %sign3A_458 = arith.constant 0 : i32
        %sign3A_459 = arith.cmpi sgt, %jit3A_449, %sign3A_458 : i32
        %sign3A_460 = arith.extui %sign3A_459 : i1 to i32
        %sign3A_461 = arith.constant 0 : i32
        %sign3A_462 = arith.cmpi slt, %jit3A_449, %sign3A_461 : i32
        %sign3A_463 = arith.extui %sign3A_462 : i1 to i32
        %sign3A_464 = arith.subi %sign3A_460, %sign3A_463 : i32
        %ne3A_465 = arith.cmpi ne, %sign3A_457, %sign3A_464 : i32
        %rem3A_466 = arith.remsi %add3A_448, %jit3A_449 : i32
        %ne3A_467 = arith.constant 0 : i32
        %ne3A_468 = arith.cmpi ne, %rem3A_466, %ne3A_467 : i32
        %and3A_469 = arith.andi %ne3A_465, %ne3A_468 : i1
        %sub3A_470 = arith.constant 1 : i32
        %sub3A_471 = arith.subi %div3A_450, %sub3A_470 : i32
        %select_n3A_472 = arith.select %and3A_469, %sub3A_471, %div3A_450 : i32
        %mul3A_473 = arith.constant 8192 : i32
        %mul3A_474 = arith.muli %select_n3A_472, %mul3A_473 : i32
        %jit3A_475 = arith.constant 24 : i32
        %eq3A = arith.constant 0 : i32
        %eq3A_476 = arith.cmpi eq, %jit3A_475, %eq3A : i32
        %jit3A_477 = arith.constant 1 : i32
        %select_n3A_478 = arith.select %eq3A_476, %jit3A_477, %jit3A_475 : i32
        %rem3A_479 = arith.remsi %add3A_448, %select_n3A_478 : i32
        %ne3A_480 = arith.constant 0 : i32
        %ne3A_481 = arith.cmpi ne, %rem3A_479, %ne3A_480 : i32
        %lt3A_482 = arith.constant 0 : i32
        %lt3A_483 = arith.cmpi slt, %rem3A_479, %lt3A_482 : i32
        %lt3A_484 = arith.constant 0 : i32
        %lt3A_485 = arith.cmpi slt, %select_n3A_478, %lt3A_484 : i32
        %ne3A_486 = arith.xori %lt3A_483, %lt3A_485 : i1
        %and3A_487 = arith.andi %ne3A_486, %ne3A_481 : i1
        %add3A_488 = arith.addi %rem3A_479, %select_n3A_478 : i32
        %select_n3A_489 = arith.select %and3A_487, %add3A_488, %rem3A_479 : i32
        %mul3A_490 = arith.constant 256 : i32
        %mul3A_491 = arith.muli %select_n3A_489, %mul3A_490 : i32
        %add3A_492 = arith.addi %mul3A_474, %mul3A_491 : i32
        %mul3A_493 = arith.constant 1 : i32
        %mul3A_494 = arith.muli %add3A_492, %mul3A_493 : i32
        %dma_start3A_495 = arith.constant 0 : i32
        %dma_start3A_496 = tpu.memref_slice %arg0[%mul3A_494, %dma_start3A_495] : memref<32768x2048xf32, #tpu.memory_space<hbm>> -> memref<256x2048xf32, #tpu.memory_space<hbm>>
        tpu.enqueue_dma source(%dma_start3A_496 : memref<256x2048xf32, #tpu.memory_space<hbm>>) target(%arg9 : memref<256x2048xf32, #tpu.memory_space<vmem>>) target_semaphore(%arg18 : memref<!tpu.dma_semaphore, #tpu.memory_space<semaphore_mem>>)
      } else {
      }
    }
    %scan3A_29 = arith.constant 12 : i32
    %get3A = arith.constant 0 : index
    %get3A_30 = arith.constant 0 : index
    %get3A_31 = vector.load %arg10[%get3A, %get3A_30] : memref<32x2048xf32, #tpu.memory_space<vmem>>, vector<32x2048xf32>
    %reshape3A = vector.shape_cast %get3A_31 : vector<32x2048xf32> to vector<4x8x2048xf32>
    %reduce_sum3A = arith.constant dense<0.000000e+00> : vector<4x2048xf32>
    %reduce_sum3A_32 = vector.multi_reduction <add>, %reshape3A, %reduce_sum3A [1] : vector<4x8x2048xf32> to vector<4x2048xf32>
    %swap3A_33 = arith.constant 0 : index
    %swap3A_34 = arith.constant 0 : index
    %swap3A_35 = vector.load %arg1[%swap3A_33, %swap3A_34] : memref<4x2048xf32, #tpu.memory_space<vmem>>, vector<4x2048xf32>
    tpu.vector_store %arg1[%swap3A_33, %swap3A_34], %reduce_sum3A_32 {strides = array<i32>} : memref<4x2048xf32, #tpu.memory_space<vmem>>, vector<4x2048xf32>,
    return
  }
}

</mosaic_0001>

<sc_bundles>
// kernel: kernel.5.cloned.1.call-start
scs
__scs_entry_jumppad:
0x0: {  	(pc) =	sbr.rel $0x88, $3  }
0x1: {  	(tag) =	ssettag $0x0;
	lr =	simm.s32 $0x1  }
0x2: {  	[smem:$0x3F9E] =	sst lr;
	_ =	strace $0xD0000000  }
0x3: {  	_ = 	snop  }
0x4: {  	_ = 	snop  }
0x5: {  	_ = 	snop  }
0x6: {  	_ = 	snop  }
0x7: {  	_ = 	snop  }
__scs_overlays_trampoline_lowered:
0x8: {  	[smem:$0x3FAD] =	sst s0  }
0x9: {  	[smem:$0x3FAE] =	sst s1  }
0xa: {  	[smem:$0x3FAF] =	sst s2  }
0xb: {  	[smem:$0x3FB0] =	sst s3  }
0xc: {  	[smem:$0x3FB1] =	sst s4  }
0xd: {  	[smem:$0x3FB2] =	sst s5  }
0xe: {  	[smem:$0x3FB3] =	sst s6  }
0xf: {  	[smem:$0x3FB4] =	sst s7  }
0x10: {  	[smem:$0x3FB5] =	sst s8  }
0x11: {  	[smem:$0x3FB6] =	sst s9;
	s0 =	simm.s32 @!p0 $0x0  }
0x12: {  	s1 =	sld [smem:$0x3F9C];
	s0 =	simm.s32 @p0 $0x1  }
0x13: {  	[smem:$0x3FB7] =	sst s0;
	s0 =	simm.s32 @!p1 $0x0  }
0x14: {  	s2 =	sld [smem:$0x3F9B];
	s0 =	simm.s32 @p1 $0x1  }
0x15: {  	[smem:$0x3FB8] =	sst s0;
	s0 =	simm.s32 @!p2 $0x0  }
0x16: {  	s3 =	sld [smem:$0x3FDB];
	s0 =	simm.s32 @p2 $0x1  }
0x17: {  	s4 =	simm.s32 $0x1BF5;
	[smem:$0x3FBA] =	sst s0  }
0x18: {  	s0 =	sld [smem:$0x3F9D];
	_ =	swait.ge [sflag:s4], $0x0  }
0x19: {  	s7 =	sld [smem:$0x3F9E]  }
0x1a: {  	s8 =	sadd.s32 $0xFFFFE003, lr  }
0x1b: {  	s9 =	sadd.s32 $0xFFFFFEF7, lr;
	s5 =	simm.s32 $0xFFFFFFFF;
	p2 =	slt.u32 s8, $0xFFFFF086  }
0x1c: {  	p1 =	slt.u32 s9, $0xF7A;
	s5 =	simm.s32 @!p2 $0x0  }
0x1d: {  	s5 =	simm.s32 @p1 $0x1;
	p0 =	seq.s32 s7, s2  }
0x1e: {  	s7 =	smul.u32 @!p0 $0xF7A, s2;
	p2 =	seq.s32 @!p0 s5, $0x0  }
0x1f: {  	s9 =	smul.u32 $0xF7A, s1;
	s8 =	simm.s32 @!p0 $0x1BF5;
	p2 =	por !p2, p0  }
0x20: {  	[sflag:s8] =	ssyncset.s32 @!p0 $0xFFFFF086;
	s6 =	sadd.s32 @!p0 s3, s7;
	s7 =	simm.s32 @!p0 $0x108  }
0x21: {  	s3 =	sadd.s32 s3, s9;
	s6 =	sadd.s32 @!p0 $0x88, s6;
	s7 =	simm.s32 @p2 $0x1082  }
0x22: {  	[simem:s7], [sflag:s8] =	dma.local @!p0 [hbm:s6], $0xF7A  }
0x23: {  	s9 =	sor.u32 $0xD0000000, s2;
	s6 =	simm.s32 $0x108;
	_ =	swait.ge @!p0 [sflag:s8], $0x0  }
0x24: {  	s3 =	sadd.s32 $0x88, s3;
	s6 =	simm.s32 @!p1 $0x1082;
	[sflag:s4] =	ssyncset.s32 $0xFFFFF086  }
0x25: {  	[simem:s6], [sflag:s4] =	dma.local [hbm:s3], $0xF7A  }
0x26: {  	[smem:$0x3F9E] =	sst s1;
	(tag) =	ssettag s2;
	_ =	strace s9  }
0x27: {  	s1 =	sld [smem:$0x3FAE]  }
0x28: {  	s2 =	sld [smem:$0x3FAF]  }
0x29: {  	s4 =	sld [smem:$0x3FB1]  }
0x2a: {  	p0 =	seq.s32 s5, $0x0;
	s5 =	sld [smem:$0x3FB2]  }
0x2b: {  	s6 =	sld [smem:$0x3FB3]  }
0x2c: {  	s7 =	sld [smem:$0x3FB4]  }
0x2d: {  	s3 =	simm.s32 $0x108;
	s8 =	sld [smem:$0x3FB5]  }
0x2e: {  	s3 =	simm.s32 @!p0 $0x1082;
	s9 =	sld [smem:$0x3FB6]  }
0x2f: {  	lr =	sadd.s32 s0, s3;
	s0 =	sld [smem:$0x3FAD]  }
0x30: {  	s3 =	sld [smem:$0x3FB0]  }
0x31: {  	[smem:$0x3FB9] =	sst s10  }
0x32: {  	s10 =	sld [smem:$0x3FB7];
	_ =	sdelay $0x3  }
0x33: {  	p0 =	seq.s32 s10, $0x1;
	s10 =	sld [smem:$0x3FB9];
	_ =	sdelay $0x3  }
0x34: {  	[smem:$0x3FB9] =	sst s10  }
0x35: {  	s10 =	sld [smem:$0x3FB8];
	_ =	sdelay $0x3  }
0x36: {  	p1 =	seq.s32 s10, $0x1;
	s10 =	sld [smem:$0x3FB9];
	_ =	sdelay $0x3  }
0x37: {  	[smem:$0x3FB9] =	sst s10  }
0x38: {  	s10 =	sld [smem:$0x3FBA]  }
0x39: {  	_ = 	snop;
	(pc) =	sbr.ind lr, $3  }
0x3a: {  	_ = 	snop  }
0x3b: {  	_ = 	snop  }
0x3c: {  	p2 =	seq.s32 s10, $0x1;
	s10 =	sld [smem:$0x3FB9]  }
0x3d: {  	_ =	shalt  }
0x3e: {  	_ =	shalt  }
0x3f: {  	_ =	shalt  }
0x40: {  	_ =	shalt  }
0x41: {  	_ =	shalt  }
0x42: {  	_ =	shalt  }
0x43: {  	_ =	shalt  }
0x44: {  	_ =	shalt  }
0x45: {  	_ =	shalt  }
0x46: {  	_ =	shalt  }
0x47: {  	_ =	shalt  }
0x48: {  	_ =	shalt  }
0x49: {  	_ =	shalt  }
0x4a: {  	_ =	shalt  }
0x4b: {  	_ =	shalt  }
0x4c: {  	_ =	shalt  }
0x4d: {  	_ =	shalt  }
0x4e: {  	_ =	shalt  }
0x4f: {  	_ =	shalt  }
0x50: {  	_ =	shalt  }
0x51: {  	_ =	shalt  }
0x52: {  	_ =	shalt  }
0x53: {  	_ =	shalt  }
0x54: {  	_ =	shalt  }
0x55: {  	_ =	shalt  }
0x56: {  	_ =	shalt  }
0x57: {  	_ =	shalt  }
0x58: {  	_ =	shalt  }
0x59: {  	_ =	shalt  }
0x5a: {  	_ =	shalt  }
0x5b: {  	_ =	shalt  }
0x5c: {  	_ =	shalt  }
0x5d: {  	_ =	shalt  }
0x5e: {  	_ =	shalt  }
0x5f: {  	_ =	shalt  }
0x60: {  	_ =	shalt  }
0x61: {  	_ =	shalt  }
0x62: {  	_ =	shalt  }
0x63: {  	_ =	shalt  }
0x64: {  	_ =	shalt  }
0x65: {  	_ =	shalt  }
0x66: {  	_ =	shalt  }
0x67: {  	_ =	shalt  }
0x68: {  	_ =	shalt  }
0x69: {  	_ =	shalt  }
0x6a: {  	_ =	shalt  }
0x6b: {  	_ =	shalt  }
0x6c: {  	_ =	shalt  }
0x6d: {  	_ =	shalt  }
0x6e: {  	_ =	shalt  }
0x6f: {  	_ =	shalt  }
0x70: {  	_ =	shalt  }
0x71: {  	_ =	shalt  }
0x72: {  	_ =	shalt  }
0x73: {  	_ =	shalt  }
0x74: {  	_ =	shalt  }
0x75: {  	_ =	shalt  }
0x76: {  	_ =	shalt  }
0x77: {  	_ =	shalt  }
0x78: {  	_ =	shalt  }
0x79: {  	_ =	shalt  }
0x7a: {  	_ =	shalt  }
0x7b: {  	_ =	shalt  }
0x7c: {  	_ =	shalt  }
0x7d: {  	_ =	shalt  }
0x7e: {  	_ =	shalt  }
0x7f: {  	_ =	shalt  }
0x80: {  	_ =	shalt  }
0x81: {  	_ =	shalt  }
0x82: {  	_ =	shalt  }
0x83: {  	_ =	shalt  }
0x84: {  	_ =	shalt  }
0x85: {  	_ =	shalt  }
0x86: {  	_ =	shalt  }
0x87: {  	_ =	shalt  }
.Lfunc_end0:
.L_simem_size_0:
called_computation_lowered:
.L_overlay_start_0:
0x88: {  	s2 =	sld [smem:$0x3FD9]  }
0x89: {  	s3 =	sld [smem:$0x3FFE];
	_ =	sdelay $0x1  }
0x8a: {  	s1 =	srdreg.scid  }
0x8b: {  	s0 =	sand.u32 $0x1, s1  }
0x8c: {  	s17 =	sshll.u32 s0, $0xA;
	s2 =	sadd.s32 s3, s2  }
0x8d: {  	s2 =	sadd.s32 s2, s17  }
0x8e: {  	[smem:$0x3FC5] =	sst s2  }
0x8f: {  	_ = 	snop  }
0x90: {  	s2 =	sld [smem:$0x3FC9];
	(tm) =	ssettm $0x1  }
0x91: {  	s18 =	sld [smem:$0x3FFB];
	_ =	sdelay $0x3  }
0x92: {  	_ =	strace s18  }
0x93: {  	s3 =	sld [smem:$0x3FFC];
	_ =	sdelay $0x3  }
0x94: {  	_ =	strace s3  }
0x95: {  	s3 =	sld [smem:$0x3FFD];
	_ =	sdelay $0x3  }
0x96: {  	_ =	strace s3  }
0x97: {  	_ =	strace $0x8FFFFFFF  }
0x98: {  	s19 =	sld [smem:$0x3FDB];
	_ =	sdelay $0x1  }
0x99: {  	s4 =	simm.s32 $_scs_section_size  }
0x9a: {  	s5 =	simm.s32 $_size__tile_overlayer_lowered;
	s6 =	simm.s32 $_tile_overlayer_lowered  }
0x9b: {  	s22 =	simm.s32 $0x1BFF;
	s21 =	sshll.u32 s6, $0x1;
	s3 =	sadd.s32 s4, s19  }
0x9c: {  	s7 =	simm.s32 $0x0;
	s20 =	sshll.u32 s5, $0x1;
	s5 =	sadd.s32 s21, s3  }
0x9d: {  	[timem:s7], [sflag:s22] =	dma.local [hbm:s5], s20  }
0x9e: {  	_ =	swait.ge [sflag:s22], s20  }
0x9f: {  	s4 =	ssub.s32 $0x0, s20;
	[sflag:s22] =	ssyncset.done $0x0  }
0xa0: {  	[sflag:s22] =	ssyncadd.s32 s4;
	_ =	sdelay $0x1  }
0xa1: {  	s23 =	simm.s32 $0x1B8B  }
0xa2: {  	_ =	swait.ge [sflag:s23], $0x1  }
0xa3: {  	[sflag:s23] =	ssyncset.done $0x0  }
0xa4: {  	s25 =	simm.s32 $0x1B8E;
	s24 =	sld [smem:$0x3FFE];
	[sflag:s23] =	ssyncadd.s32 $0xFFFFFFFF  }
0xa5: {  	s26 =	simm.s32 $execute0_lowered;
	[smem:$0x3FD2] =	sst s25  }
0xa6: {  	s5 =	sshll.u32 s26, $0x1;
	_ =	strace $0x80000046;
	[dreg:$0x1] =	wrdreg $0xFFFFFFFF  }
0xa7: {  	s28 =	simm.s32 $_size_execute0_lowered;
	s3 =	sadd.s32 s3, s5;
	[dreg:$0x0] =	wrdreg $0x0  }
0xa8: {  	s5 =	sshll.u32 s28, $0x1;
	[dreg:$0x2] =	wrdreg s3  }
0xa9: {  	[dreg:$0x3] =	wrdreg s5  }
0xaa: {  	[dreg:$0x4] =	wrdreg $0xC0  }
0xab: {  	_ =	task [dreg:s7], $0x5FFFF  }
0xac: {  	[dreg:$0x1] =	wrdreg $0xFFFFFFFF  }
0xad: {  	[dreg:$0x0] =	wrdreg $0x60  }
0xae: {  	[dreg:$0x2] =	wrdreg s2  }
0xaf: {  	[dreg:$0x3] =	wrdreg s24  }
0xb0: {  	[dreg:$0x4] =	wrdreg $0x9  }
0xb1: {  	_ =	task.clear_ibuf [dreg:s7], $0x5FFFF;
	_ =	strace $0x90000046  }
0xb2: {  	s29 =	simm.s32 $0x9;
	_ =	strace $0x80000048  }
0xb3: {  	_ =	swait.ge [sflag:s29], $0x1  }
0xb4: {  	[sflag:s29] =	ssyncadd.s32 $0xFFFFFFFF  }
0xb5: {  	_ =	strace $0x90000048  }
0xb6: {  	_ =	sfence  }
0xb7: {  	s30 =	sld [smem:$0x0];
	_ =	sdelay $0x2  }
0xb8: {  	s31 =	sshll.u32 s1, $0xD;
	s1 =	sshrl.u32 s1, $0x2  }
0xb9: {  	s3 =	sand.u32 $0x4000, s31;
	s1 =	sadd.s32 s1, s30  }
0xba: {  	s0 =	sor.u32 s3, s0;
	s1 =	sshll.u32 s1, $0x11  }
0xbb: {  	s0 =	sor.u32 s1, s0  }
0xbc: {  	s0 =	sadd.s32 $0x8F2B, s0  }
0xbd: {  	[sflag:s0] =	ssyncadd.remote.s32 $0x1  }
0xbe: {  	_ =	sfence.sel $0xFFFF  }
0xbf: {  	[dreg:$0x0] =	wrdreg $0xFFFFFFFF;
	(pc) =	sbr.abs _section_cstart, $3  }
0xc0: {  	[dreg:$0x1] =	wrdreg $0xFFFFFFFF  }
0xc1: {  	_ =	task.clear_ibuf [dreg:s7], $0x2FFFF;
	_ =	strace $0x9FFFFFFF  }
0xc2: {  	(tm) =	ssettm $0x7FFFFFFF  }
0xc3: {  	_ =	shalt  }
tec
execute0_lowered:
.L_overlay_start_1:
0x0: {  	(tag) =	ssettag $0x1  }
0x1: {  	s3 =	rddreg [dreg:$0x0]  }
0x2: {  	s4 =	rddreg [dreg:$0x1]  }
0x3: {  	s0 =	rddreg [dreg:$0x2];
	s2 =	simm.s32 $0x0  }
0x4: {  	s1 =	stileid.u32;
	s5 =	srdreg.scid;
	s10 =	simm.s32 $0x1  }
0x5: {  	s11 =	simm.s32 $0x2;
	s12 =	simm.s32 $0x80;
	s13 =	simm.s32 $0x400  }
0x6: {  	s14 =	simm.s32 $0x10000;
	s15 =	simm.s32 $0x3;
	s16 =	simm.s32 $0x0  }
0x7: {  	[smem:$0x7FF] =	sst s2;
	s5 =	sand.u32 $0x1, s5;
	s6 =	sshll.u32 s1, $0x1  }
0x8: {  	s7 =	sshll.u32 s1, $0x9;
	s8 =	sshll.u32 s1, $0x13;
	_ =	strace $0x80000047  }
0x9: {  	s6 =	sor.u32 s5, s6;
	s7 =	sand.u32 $0x1800, s7;
	s26 =	ssub.s32 $0x2, s5  }
0xa: {  	s9 =	sshll.u32 s6, $0x10;
	s7 =	sadd.s32 s7, s4;
	s29 =	sshrl.u32 s26, $0x1  }
.Ltmp0:
0xb: {  	s6 =	sshll.u32 s6, $0x4;
	s28 =	sor.u32 s8, s9;
	(pc) =	sbr.rel .LBB2_1-.Ltmp0, $4  }
0xc: {  	s8 =	ssub.s32 s26, s29;
	s31 =	sand.u32 $0x70, s6;
	s5 =	sand.u32 $0x670000, s28  }
0xd: {  	s9 =	simm.s32 $0x8000;
	s6 =	smax.u32 s8, $0x1;
	s30 =	sadd.s32 s5, s3  }
0xe: {  	s5 =	sadd.s32 s31, s7;
	s3 =	sadd.s32 $0x180000, s30;
	s4 =	sadd.s32 $0x181000, s30  }
0xf: {  	v0 =	vimm.f32 $0.0e+00;
	s5 =	sadd.s32 $0xA00, s5;
	s7 =	sadd.s32 $0x182000, s30;
	s8 =	sadd.s32 $0x183000, s30  }
.LBB2_10:
0x10: {  	s16 =	sadd.s32 $0x1, s16  }
0x11: {  	p0 =	sne.s32 s16, s6  }
.Ltmp1:
0x12: {  	_ = 	snop;
	(pc) =	sbr.rel @!p0 .LBB2_11-.Ltmp1, $4  }
0x13: {  	[hbm4b:s5+s12] =	stream.strided.scatter [tilespmem:s14], [sflag:$0x3], $0x800, s13, s12, $0x38;
	[tilespmem:$0x10800] =	vst v63  }
0x14: {  	_ =	swait.ge [sflag:s15], $0x800  }
0x15: {  	[sflag:s15] =	ssyncset.done $0x0  }
0x16: {  	[sflag:s15] =	ssyncadd.s32 $0xFFFFF800  }
.LBB2_1:
0x17: {  	s17 =	simm.s32 $0x40;
	s18 =	simm.s32 $0x0  }
.LBB2_2:
0x18: {  	p0 =	sne.s32 s17, $0x1FC0;
	[tilespmem:s18+$0x10000] =	vst v0;
	s18 =	smov.u32 s17;
	s17 =	sadd.s32 $0x40, s17  }
.Ltmp2:
0x19: {  	(pc) =	sbr.rel @p0 .LBB2_2-.Ltmp2, $2  }
0x1a: {  	_ =	sdelay $0x2  }
0x1b: {  	s18 =	sshra.s32 s18, $0x2  }
0x1c: {  	[tilespmem:s18+$0x10000] =	vst v0;
	s17 =	simm.s32 $0x0  }
0x1d: {  	[tilespmem:s17], [sflag:$0x1] =	stream.linear.gather [hbm4b:s3+s17], $0x8000, $0x38;
	[tilespmem:$0x10800] =	vst v63  }
0x1e: {  	s18 =	simm.s32 $0x0  }
0x1f: {  	[tilespmem:s9], [sflag:$0x2] =	stream.linear.gather [hbm4b:s4+s17], $0x8000, $0x38;
	[tilespmem:$0x10800] =	vst v63  }
.LBB2_4:
0x20: {  	_ =	swait.ge [sflag:s10], $0x8000;
	s19 =	sand.u32 $0x60, s17  }
0x21: {  	s20 =	sand.u32 $0x3C00, s17;
	[sflag:s10] =	ssyncset.done $0x0;
	s21 =	sor.u32 $0x10, s19  }
0x22: {  	[sflag:s10] =	ssyncadd.s32 $0xFFFF8000;
	s22 =	sor.u32 s21, s20  }
0x23: {  	v1 =	vld [tilespmem:s22+$0x0]  }
0x24: {  	s23 =	sor.u32 s19, s20;
	v2 =	vld [tilespmem:s22+$0x80]  }
0x25: {  	v3 =	vld [tilespmem:s23+$0x0]  }
0x26: {  	v4 =	vld [tilespmem:s22+$0x100]  }
0x27: {  	v5 =	vld [tilespmem:s23+$0x80]  }
0x28: {  	v6 =	vld [tilespmem:s22+$0x180]  }
0x29: {  	v7 =	vld [tilespmem:s23+$0x100]  }
0x2a: {  	v8 =	vld [tilespmem:s22+$0x200]  }
0x2b: {  	v9 =	vld [tilespmem:s23+$0x180]  }
0x2c: {  	v10 =	vld [tilespmem:s22+$0x280]  }
0x2d: {  	v11 =	vld [tilespmem:s23+$0x200]  }
0x2e: {  	v12 =	vld [tilespmem:s22+$0x300]  }
0x2f: {  	v13 =	vld [tilespmem:s23+$0x280]  }
0x30: {  	s24 =	sor.u32 $0x4000, s20;
	v14 =	vld [tilespmem:s22+$0x380]  }
0x31: {  	s31 =	sor.u32 s21, s24;
	v15 =	vld [tilespmem:s23+$0x300]  }
0x32: {  	v16 =	vld [tilespmem:s31+$0x0]  }
0x33: {  	s26 =	sor.u32 $0x4100, s20;
	s24 =	sor.u32 s19, s24;
	v17 =	vld [tilespmem:s23+$0x380]  }
0x34: {  	s25 =	sor.u32 $0x4080, s20;
	s29 =	sor.u32 s21, s26;
	v19 =	vld [tilespmem:s24+$0x0]  }
0x35: {  	s30 =	sor.u32 s19, s25;
	v20 =	vld [tilespmem:s29+$0x0]  }
0x36: {  	s23 =	sor.u32 s21, s25;
	v21 =	vld [tilespmem:s30+$0x0]  }
0x37: {  	s31 =	sor.u32 $0x4180, s20;
	s24 =	sor.u32 s19, s26;
	v18 =	vld [tilespmem:s23+$0x0]  }
0x38: {  	s26 =	sor.u32 $0x4200, s20;
	s23 =	sor.u32 s21, s31;
	v23 =	vld [tilespmem:s24+$0x0]  }
0x39: {  	s29 =	sor.u32 s21, s26;
	v22 =	vld [tilespmem:s23+$0x0]  }
0x3a: {  	s30 =	sor.u32 s19, s31;
	v24 =	vld [tilespmem:s29+$0x0]  }
0x3b: {  	s31 =	sor.u32 $0x4280, s20;
	s26 =	sor.u32 s19, s26;
	v25 =	vld [tilespmem:s30+$0x0]  }
0x3c: {  	s23 =	sor.u32 s21, s31;
	v27 =	vld [tilespmem:s26+$0x0]  }
0x3d: {  	s29 =	sor.u32 $0x4300, s20;
	s31 =	sor.u32 s19, s31;
	v26 =	vld [tilespmem:s23+$0x0]  }
0x3e: {  	s20 =	sor.u32 $0x4380, s20;
	s30 =	sor.u32 s21, s29;
	v29 =	vld [tilespmem:s31+$0x0]  }
0x3f: {  	s25 =	sor.u32 s21, s20;
	v28 =	vld [tilespmem:s30+$0x0]  }
0x40: {  	s26 =	sor.u32 s19, s29;
	s29 =	sand.u32 $0x780, s17;
	v30 =	vld [tilespmem:s25+$0x0]  }
0x41: {  	s22 =	simm.s32 $0x20;
	v31 =	vld [tilespmem:s26+$0x0];
	s23 =	sor.u32 s21, s29  }
0x42: {  	s24 =	sand.u32 $0x60, s22;
	s26 =	sor.u32 s19, s20;
	s20 =	simm.s32 $0x100;
	v1 =	vadd.f32 v2, v1;
	v2 =	vadd.f32 v5, v3;
	v3 =	vld [tilespmem:s23+$0x10000]  }
0x43: {  	s19 =	simm.s32 $0x10000;
	s25 =	sor.u32 $0x10, s24;
	s21 =	sand.u32 $0x3C00, s20;
	v5 =	vld [tilespmem:s26+$0x0]  }
0x44: {  	s30 =	sor.u32 s25, s21;
	v1 =	vadd.f32 v4, v1;
	v4 =	vld [tilespmem:s19+$0x0]  }
0x45: {  	v2 =	vadd.f32 v7, v2;
	v7 =	vld [tilespmem:s30+$0x0]  }
0x46: {  	s28 =	sor.u32 s24, s21;
	v1 =	vadd.f32 v6, v1;
	v6 =	vld [tilespmem:s30+$0x80]  }
0x47: {  	v45 =	vld [tilespmem:s28+$0x0];
	v2 =	vadd.f32 v9, v2  }
0x48: {  	v1 =	vadd.f32 v8, v1;
	v8 =	vld [tilespmem:s30+$0x100]  }
0x49: {  	v46 =	vld [tilespmem:s28+$0x80];
	v2 =	vadd.f32 v11, v2  }
0x4a: {  	v47 =	vld [tilespmem:s30+$0x180];
	v1 =	vadd.f32 v10, v1  }
0x4b: {  	v2 =	vadd.f32 v13, v2;
	v6 =	vadd.f32 v6, v7;
	v7 =	vld [tilespmem:s28+$0x100]  }
0x4c: {  	v48 =	vld [tilespmem:s30+$0x200];
	v1 =	vadd.f32 v12, v1  }
0x4d: {  	v2 =	vadd.f32 v15, v2;
	v6 =	vadd.f32 v8, v6;
	v8 =	vld [tilespmem:s28+$0x180]  }
0x4e: {  	v49 =	vld [tilespmem:s30+$0x280];
	v9 =	vadd.f32 v46, v45;
	v1 =	vadd.f32 v14, v1  }
0x4f: {  	v50 =	vld [tilespmem:s28+$0x200];
	v2 =	vadd.f32 v17, v2;
	v6 =	vadd.f32 v47, v6  }
0x50: {  	v51 =	vld [tilespmem:s30+$0x300];
	v1 =	vadd.f32 v16, v1;
	v7 =	vadd.f32 v7, v9  }
0x51: {  	v52 =	vld [tilespmem:s28+$0x280];
	v2 =	vadd.f32 v19, v2;
	v6 =	vadd.f32 v48, v6  }
0x52: {  	s29 =	sor.u32 $0x4000, s21;
	v53 =	vld [tilespmem:s30+$0x380];
	v1 =	vadd.f32 v18, v1;
	v7 =	vadd.f32 v8, v7  }
0x53: {  	s31 =	sor.u32 s25, s29;
	v2 =	vadd.f32 v21, v2;
	v8 =	vld [tilespmem:s28+$0x300];
	v6 =	vadd.f32 v49, v6  }
0x54: {  	v54 =	vld [tilespmem:s31+$0x0];
	s30 =	sor.u32 $0x4080, s21;
	v1 =	vadd.f32 v20, v1;
	v7 =	vadd.f32 v50, v7  }
0x55: {  	v55 =	vld [tilespmem:s28+$0x380];
	s31 =	sor.u32 s25, s30;
	v2 =	vadd.f32 v23, v2;
	v6 =	vadd.f32 v51, v6  }
0x56: {  	v56 =	vld [tilespmem:s31+$0x0];
	s28 =	sor.u32 s24, s29;
	s29 =	sor.u32 $0x4100, s21;
	v1 =	vadd.f32 v22, v1;
	v7 =	vadd.f32 v52, v7  }
0x57: {  	v57 =	vld [tilespmem:s28+$0x0];
	s31 =	sor.u32 s25, s29;
	v2 =	vadd.f32 v25, v2;
	v6 =	vadd.f32 v53, v6  }
0x58: {  	s28 =	sor.u32 s24, s30;
	s30 =	sor.u32 $0x4180, s21;
	v58 =	vld [tilespmem:s31+$0x0];
	v1 =	vadd.f32 v24, v1;
	v7 =	vadd.f32 v8, v7  }
0x59: {  	s31 =	sor.u32 s25, s30;
	v2 =	vadd.f32 v27, v2;
	v8 =	vld [tilespmem:s28+$0x0];
	v6 =	vadd.f32 v54, v6  }
0x5a: {  	v59 =	vld [tilespmem:s31+$0x0];
	s28 =	sor.u32 s24, s29;
	s29 =	sor.u32 $0x4200, s21;
	v1 =	vadd.f32 v26, v1;
	v7 =	vadd.f32 v55, v7  }
0x5b: {  	v60 =	vld [tilespmem:s28+$0x0];
	s31 =	sor.u32 s25, s29;
	v2 =	vadd.f32 v29, v2;
	v6 =	vadd.f32 v56, v6  }
0x5c: {  	s28 =	sor.u32 s24, s30;
	s30 =	sor.u32 $0x4280, s21;
	v61 =	vld [tilespmem:s31+$0x0];
	v1 =	vadd.f32 v28, v1;
	v7 =	vadd.f32 v57, v7  }
0x5d: {  	v62 =	vld [tilespmem:s28+$0x0];
	s31 =	sor.u32 s25, s30;
	v2 =	vadd.f32 v31, v2;
	v6 =	vadd.f32 v58, v6  }
0x5e: {  	s28 =	sor.u32 s24, s29;
	s29 =	sor.u32 $0x4300, s21;
	v63 =	vld [tilespmem:s31+$0x0];
	v1 =	vadd.f32 v30, v1;
	v7 =	vadd.f32 v8, v7  }
0x5f: {  	s31 =	sor.u32 s25, s29;
	v5 =	vadd.f32 v5, v2;
	v2 =	vld [tilespmem:s28+$0x0];
	v6 =	vadd.f32 v59, v6  }
0x60: {  	s28 =	sor.u32 s24, s30;
	s30 =	sor.u32 $0x4380, s21;
	v8 =	vadd.f32 v1, v3;
	v1 =	vld [tilespmem:s31+$0x0];
	v7 =	vadd.f32 v60, v7  }
0x61: {  	s26 =	sor.u32 s25, s30;
	v5 =	vadd.f32 v5, v4;
	v3 =	vld [tilespmem:s28+$0x0];
	v6 =	vadd.f32 v61, v6  }
0x62: {  	s22 =	sand.u32 $0x780, s22;
	s21 =	simm.s32 $0x2;
	s31 =	sor.u32 s24, s29;
	v4 =	vld [tilespmem:s26+$0x0];
	[tilespmem:s23+$0x10000] =	vst v8;
	v7 =	vadd.f32 v62, v7  }
0x63: {  	s28 =	sor.u32 s24, s30;
	s26 =	sor.u32 s25, s22;
	s22 =	simm.s32 $0x40;
	[tilespmem:s19+$0x0] =	vst v5;
	v5 =	vld [tilespmem:s31+$0x0];
	v6 =	vadd.f32 v63, v6  }
.LBB2_5:
0x64: {  	s24 =	sand.u32 $0x60, s22;
	v2 =	vadd.f32 v2, v7;
	v7 =	vld [tilespmem:s26+$0x10000];
	s20 =	sadd.s32 $0x100, s20;
	s19 =	sadd.s32 $0x20, s19  }
0x65: {  	s21 =	sadd.s32 $0x2, s21;
	s25 =	sand.u32 $0x3C00, s20;
	s23 =	sor.u32 $0x10, s24;
	v8 =	vld [tilespmem:s28+$0x0];
	v1 =	vadd.f32 v1, v6  }
0x66: {  	p0 =	slt.u32 s21, $0x7E;
	s28 =	sor.u32 s24, s25;
	s29 =	sor.u32 s23, s25;
	v2 =	vadd.f32 v3, v2;
	v3 =	vld [tilespmem:s19+$0x0]  }
0x67: {  	v6 =	vld [tilespmem:s29+$0x0];
	v1 =	vadd.f32 v4, v1  }
0x68: {  	v4 =	vld [tilespmem:s29+$0x80];
	v2 =	vadd.f32 v5, v2  }
0x69: {  	v5 =	vld [tilespmem:s28+$0x0];
	v1 =	vadd.f32 v1, v7  }
0x6a: {  	v7 =	vld [tilespmem:s29+$0x100];
	v2 =	vadd.f32 v8, v2  }
0x6b: {  	v8 =	vld [tilespmem:s28+$0x80];
	[tilespmem:s26+$0x10000] =	vst v1  }
0x6c: {  	v1 =	vld [tilespmem:s29+$0x180];
	v2 =	vadd.f32 v2, v3  }
0x6d: {  	v3 =	vld [tilespmem:s28+$0x100];
	v4 =	vadd.f32 v4, v6  }
0x6e: {  	v6 =	vld [tilespmem:s29+$0x200];
	[tilespmem:s19+$0x0] =	vst v2  }
0x6f: {  	v2 =	vld [tilespmem:s28+$0x180];
	v4 =	vadd.f32 v7, v4  }
0x70: {  	v5 =	vadd.f32 v8, v5;
	v7 =	vld [tilespmem:s29+$0x280]  }
0x71: {  	v8 =	vld [tilespmem:s28+$0x200];
	v1 =	vadd.f32 v1, v4  }
0x72: {  	v3 =	vadd.f32 v3, v5;
	v4 =	vld [tilespmem:s29+$0x300]  }
0x73: {  	v5 =	vld [tilespmem:s28+$0x280];
	v1 =	vadd.f32 v6, v1  }
0x74: {  	s26 =	sor.u32 $0x4000, s25;
	v2 =	vadd.f32 v2, v3;
	v3 =	vld [tilespmem:s29+$0x380]  }
0x75: {  	s29 =	sor.u32 s24, s26;
	s26 =	sor.u32 s23, s26;
	v6 =	vld [tilespmem:s28+$0x300];
	v1 =	vadd.f32 v7, v1  }
0x76: {  	s30 =	sor.u32 $0x4080, s25;
	v2 =	vadd.f32 v8, v2;
	v7 =	vld [tilespmem:s26+$0x0]  }
0x77: {  	s26 =	sor.u32 s24, s30;
	v8 =	vld [tilespmem:s28+$0x380];
	v1 =	vadd.f32 v4, v1;
	s28 =	sor.u32 s23, s30  }
0x78: {  	s30 =	sor.u32 $0x4100, s25;
	v2 =	vadd.f32 v5, v2;
	v4 =	vld [tilespmem:s28+$0x0]  }
0x79: {  	s28 =	sor.u32 s24, s30;
	v5 =	vld [tilespmem:s29+$0x0];
	v1 =	vadd.f32 v3, v1;
	s29 =	sor.u32 s23, s30  }
0x7a: {  	s30 =	sor.u32 $0x4180, s25;
	v2 =	vadd.f32 v6, v2;
	v3 =	vld [tilespmem:s29+$0x0]  }
0x7b: {  	s29 =	sor.u32 s23, s30;
	v6 =	vld [tilespmem:s26+$0x0];
	s26 =	sor.u32 s24, s30;
	v1 =	vadd.f32 v7, v1  }
0x7c: {  	s30 =	sor.u32 $0x4200, s25;
	v2 =	vadd.f32 v8, v2;
	v7 =	vld [tilespmem:s29+$0x0]  }
0x7d: {  	s29 =	sor.u32 s23, s30;
	v8 =	vld [tilespmem:s28+$0x0];
	s28 =	sor.u32 s24, s30;
	v1 =	vadd.f32 v4, v1  }
0x7e: {  	s30 =	sor.u32 $0x4280, s25;
	v2 =	vadd.f32 v5, v2;
	v4 =	vld [tilespmem:s29+$0x0]  }
0x7f: {  	s29 =	sor.u32 s23, s30;
	v5 =	vld [tilespmem:s26+$0x0];
	s26 =	sor.u32 s24, s30;
	v1 =	vadd.f32 v3, v1  }
0x80: {  	s30 =	sor.u32 $0x4300, s25;
	v3 =	vadd.f32 v6, v2;
	v6 =	vld [tilespmem:s29+$0x0]  }
.Ltmp3:
0x81: {  	s29 =	sor.u32 s24, s30;
	v2 =	vld [tilespmem:s28+$0x0];
	v7 =	vadd.f32 v7, v1;
	s28 =	sor.u32 s23, s30;
	(pc) =	sbr.rel @p0 .LBB2_5-.Ltmp3, $4  }
0x82: {  	s25 =	sor.u32 $0x4380, s25;
	v8 =	vadd.f32 v8, v3;
	v1 =	vld [tilespmem:s28+$0x0]  }
0x83: {  	s28 =	sor.u32 s24, s25;
	s24 =	sor.u32 s23, s25;
	v3 =	vld [tilespmem:s26+$0x0];
	v9 =	vadd.f32 v4, v7  }
0x84: {  	v7 =	vadd.f32 v5, v8;
	v4 =	vld [tilespmem:s24+$0x0];
	s24 =	sand.u32 $0x780, s22  }
0x85: {  	s22 =	sadd.s32 $0x20, s22;
	v5 =	vld [tilespmem:s29+$0x0];
	v6 =	vadd.f32 v6, v9;
	s26 =	sor.u32 s23, s24  }
0x86: {  	v2 =	vadd.f32 v2, v7  }
0x87: {  	v7 =	vld [tilespmem:s28+$0x0]  }
0x88: {  	v8 =	vld [tilespmem:s26+$0x10000];
	s19 =	sadd.s32 $0x20, s19;
	v2 =	vadd.f32 v3, v2  }
0x89: {  	v1 =	vadd.f32 v1, v6;
	v3 =	vld [tilespmem:s19+$0x0]  }
0x8a: {  	v2 =	vadd.f32 v5, v2  }
0x8b: {  	v1 =	vadd.f32 v4, v1  }
0x8c: {  	v2 =	vadd.f32 v7, v2  }
0x8d: {  	v1 =	vadd.f32 v1, v8  }
0x8e: {  	p0 =	seq.s32 s18, $0x7;
	v2 =	vadd.f32 v2, v3  }
0x8f: {  	s20 =	sshll.u32 @!p0 s18, $0xD;
	[tilespmem:s26+$0x10000] =	vst v1  }
0x90: {  	[tilespmem:s19+$0x0] =	vst v2;
	s19 =	sadd.s32 @!p0 s7, s20;
	s20 =	simm.s32 @!p0 $0x0  }
0x91: {  	[tilespmem:s20], [sflag:$0x1] =	stream.linear.gather @!p0 [hbm4b:s19+s20], $0x8000, $0x38;
	[tilespmem:$0x10800] =	vst v63  }
0x92: {  	s20 =	simm.s32 $0x0  }
0x93: {  	_ =	swait.ge [sflag:s11], $0x8000;
	s19 =	sand.u32 $0x60, s20;
	s21 =	sand.u32 $0x3C00, s20  }
0x94: {  	[sflag:s11] =	ssyncset.done $0x0;
	s22 =	sor.u32 $0x8000, s21;
	s23 =	sor.u32 $0x10, s19  }
0x95: {  	[sflag:s11] =	ssyncadd.s32 $0xFFFF8000;
	s24 =	sor.u32 s23, s22  }
0x96: {  	v1 =	vld [tilespmem:s24+$0x0]  }
0x97: {  	s22 =	sor.u32 s19, s22;
	v2 =	vld [tilespmem:s24+$0x80]  }
0x98: {  	v3 =	vld [tilespmem:s22+$0x0]  }
0x99: {  	v4 =	vld [tilespmem:s24+$0x100]  }
0x9a: {  	v5 =	vld [tilespmem:s22+$0x80]  }
0x9b: {  	v6 =	vld [tilespmem:s24+$0x180]  }
0x9c: {  	v7 =	vld [tilespmem:s22+$0x100]  }
0x9d: {  	v8 =	vld [tilespmem:s24+$0x200]  }
0x9e: {  	v9 =	vld [tilespmem:s22+$0x180]  }
0x9f: {  	v10 =	vld [tilespmem:s24+$0x280]  }
0xa0: {  	v11 =	vld [tilespmem:s22+$0x200]  }
0xa1: {  	v12 =	vld [tilespmem:s24+$0x300]  }
0xa2: {  	v13 =	vld [tilespmem:s22+$0x280]  }
0xa3: {  	s25 =	sor.u32 $0xC000, s21;
	v14 =	vld [tilespmem:s24+$0x380]  }
0xa4: {  	s30 =	sor.u32 s23, s25;
	v15 =	vld [tilespmem:s22+$0x300]  }
0xa5: {  	v16 =	vld [tilespmem:s30+$0x0]  }
0xa6: {  	s31 =	sor.u32 $0xC080, s21;
	s29 =	sor.u32 s19, s25;
	v17 =	vld [tilespmem:s22+$0x380]  }
0xa7: {  	s25 =	sor.u32 $0xC100, s21;
	s24 =	sor.u32 s23, s31;
	v19 =	vld [tilespmem:s29+$0x0]  }
0xa8: {  	s30 =	sor.u32 s23, s25;
	v18 =	vld [tilespmem:s24+$0x0]  }
0xa9: {  	s26 =	sor.u32 $0xC180, s21;
	s31 =	sor.u32 s19, s31;
	v20 =	vld [tilespmem:s30+$0x0]  }
0xaa: {  	s29 =	sor.u32 s23, s26;
	v21 =	vld [tilespmem:s31+$0x0]  }
0xab: {  	s30 =	sor.u32 s19, s25;
	v22 =	vld [tilespmem:s29+$0x0]  }
0xac: {  	s31 =	sor.u32 $0xC200, s21;
	s29 =	sor.u32 s19, s26;
	v23 =	vld [tilespmem:s30+$0x0]  }
0xad: {  	s26 =	sor.u32 $0xC280, s21;
	s24 =	sor.u32 s23, s31;
	v25 =	vld [tilespmem:s29+$0x0]  }
0xae: {  	s30 =	sor.u32 s23, s26;
	v24 =	vld [tilespmem:s24+$0x0]  }
0xaf: {  	s25 =	sor.u32 $0xC300, s21;
	s31 =	sor.u32 s19, s31;
	v26 =	vld [tilespmem:s30+$0x0]  }
0xb0: {  	s29 =	sor.u32 s23, s25;
	v27 =	vld [tilespmem:s31+$0x0]  }
0xb1: {  	s30 =	sor.u32 s19, s26;
	v28 =	vld [tilespmem:s29+$0x0]  }
0xb2: {  	s31 =	sor.u32 $0xC380, s21;
	s24 =	sor.u32 s19, s25;
	v29 =	vld [tilespmem:s30+$0x0]  }
0xb3: {  	s20 =	sand.u32 $0x780, s20;
	s21 =	sor.u32 s23, s31;
	v31 =	vld [tilespmem:s24+$0x0]  }
0xb4: {  	s22 =	sor.u32 s23, s20;
	s25 =	simm.s32 $0x100;
	v30 =	vld [tilespmem:s21+$0x0];
	s21 =	simm.s32 $0x20;
	v1 =	vadd.f32 v2, v1  }
0xb5: {  	s26 =	sor.u32 s19, s31;
	s20 =	sand.u32 $0x3C00, s25;
	v2 =	vadd.f32 v5, v3;
	v3 =	vld [tilespmem:s22+$0x10000];
	s24 =	sand.u32 $0x60, s21  }
0xb6: {  	s19 =	simm.s32 $0x10000;
	s29 =	sor.u32 $0x8000, s20;
	v5 =	vld [tilespmem:s26+$0x0];
	s23 =	sor.u32 $0x10, s24;
	v1 =	vadd.f32 v4, v1  }
0xb7: {  	v2 =	vadd.f32 v7, v2;
	v4 =	vld [tilespmem:s19+$0x0];
	s30 =	sor.u32 s23, s29  }
0xb8: {  	v7 =	vld [tilespmem:s30+$0x0];
	v1 =	vadd.f32 v6, v1  }
0xb9: {  	s26 =	sor.u32 s24, s29;
	v2 =	vadd.f32 v9, v2;
	v6 =	vld [tilespmem:s30+$0x80]  }
0xba: {  	v44 =	vld [tilespmem:s26+$0x0];
	v1 =	vadd.f32 v8, v1  }
0xbb: {  	v2 =	vadd.f32 v11, v2;
	v8 =	vld [tilespmem:s30+$0x100]  }
0xbc: {  	v45 =	vld [tilespmem:s26+$0x80];
	v1 =	vadd.f32 v10, v1  }
0xbd: {  	v46 =	vld [tilespmem:s30+$0x180];
	v2 =	vadd.f32 v13, v2  }
0xbe: {  	v6 =	vadd.f32 v6, v7;
	v7 =	vld [tilespmem:s26+$0x100];
	v1 =	vadd.f32 v12, v1  }
0xbf: {  	v47 =	vld [tilespmem:s30+$0x200];
	v2 =	vadd.f32 v15, v2  }
0xc0: {  	v6 =	vadd.f32 v8, v6;
	v8 =	vld [tilespmem:s26+$0x180];
	v1 =	vadd.f32 v14, v1  }
0xc1: {  	v48 =	vld [tilespmem:s30+$0x280];
	v9 =	vadd.f32 v45, v44;
	v2 =	vadd.f32 v17, v2  }
0xc2: {  	v49 =	vld [tilespmem:s26+$0x200];
	v6 =	vadd.f32 v46, v6;
	v1 =	vadd.f32 v16, v1  }
0xc3: {  	v50 =	vld [tilespmem:s30+$0x300];
	v2 =	vadd.f32 v19, v2;
	v7 =	vadd.f32 v7, v9  }
0xc4: {  	v51 =	vld [tilespmem:s26+$0x280];
	v6 =	vadd.f32 v47, v6;
	v1 =	vadd.f32 v18, v1  }
0xc5: {  	s28 =	sor.u32 $0xC000, s20;
	v52 =	vld [tilespmem:s30+$0x380];
	v2 =	vadd.f32 v21, v2;
	v7 =	vadd.f32 v8, v7  }
0xc6: {  	s31 =	sor.u32 s23, s28;
	v8 =	vld [tilespmem:s26+$0x300];
	v6 =	vadd.f32 v48, v6;
	v1 =	vadd.f32 v20, v1  }
0xc7: {  	s29 =	sor.u32 $0xC080, s20;
	v53 =	vld [tilespmem:s31+$0x0];
	v2 =	vadd.f32 v23, v2;
	v7 =	vadd.f32 v49, v7  }
0xc8: {  	v54 =	vld [tilespmem:s26+$0x380];
	s30 =	sor.u32 s23, s29;
	v6 =	vadd.f32 v50, v6;
	v1 =	vadd.f32 v22, v1  }
0xc9: {  	s31 =	sor.u32 s24, s28;
	s28 =	sor.u32 $0xC100, s20;
	v55 =	vld [tilespmem:s30+$0x0];
	v2 =	vadd.f32 v25, v2;
	v7 =	vadd.f32 v51, v7  }
0xca: {  	v56 =	vld [tilespmem:s31+$0x0];
	s30 =	sor.u32 s23, s28;
	v6 =	vadd.f32 v52, v6;
	v1 =	vadd.f32 v24, v1  }
0xcb: {  	s31 =	sor.u32 s24, s29;
	s29 =	sor.u32 $0xC180, s20;
	v57 =	vld [tilespmem:s30+$0x0];
	v2 =	vadd.f32 v27, v2;
	v7 =	vadd.f32 v8, v7  }
0xcc: {  	s30 =	sor.u32 s23, s29;
	v8 =	vld [tilespmem:s31+$0x0];
	v6 =	vadd.f32 v53, v6;
	v1 =	vadd.f32 v26, v1  }
0xcd: {  	v58 =	vld [tilespmem:s30+$0x0];
	s31 =	sor.u32 s24, s28;
	s28 =	sor.u32 $0xC200, s20;
	v2 =	vadd.f32 v29, v2;
	v7 =	vadd.f32 v54, v7  }
0xce: {  	v59 =	vld [tilespmem:s31+$0x0];
	s30 =	sor.u32 s23, s28;
	v6 =	vadd.f32 v55, v6;
	v1 =	vadd.f32 v28, v1  }
0xcf: {  	s31 =	sor.u32 s24, s29;
	s29 =	sor.u32 $0xC280, s20;
	v60 =	vld [tilespmem:s30+$0x0];
	v2 =	vadd.f32 v31, v2;
	v7 =	vadd.f32 v56, v7  }
0xd0: {  	v61 =	vld [tilespmem:s31+$0x0];
	s30 =	sor.u32 s23, s29;
	v6 =	vadd.f32 v57, v6;
	v62 =	vadd.f32 v30, v1  }
0xd1: {  	s31 =	sor.u32 s24, s28;
	s28 =	sor.u32 $0xC300, s20;
	v63 =	vld [tilespmem:s30+$0x0];
	v2 =	vadd.f32 v5, v2;
	v5 =	vadd.f32 v8, v7  }
0xd2: {  	s30 =	sor.u32 s23, s28;
	v1 =	vld [tilespmem:s31+$0x0];
	v6 =	vadd.f32 v58, v6;
	v7 =	vadd.f32 v62, v3  }
0xd3: {  	s31 =	sor.u32 s24, s29;
	s29 =	sor.u32 $0xC380, s20;
	v8 =	vadd.f32 v2, v4;
	v2 =	vld [tilespmem:s30+$0x0];
	v5 =	vadd.f32 v59, v5  }
0xd4: {  	s21 =	sand.u32 $0x780, s21;
	v3 =	vld [tilespmem:s31+$0x0];
	s30 =	sor.u32 s23, s29;
	v6 =	vadd.f32 v60, v6  }
0xd5: {  	s26 =	sor.u32 s23, s21;
	s21 =	simm.s32 $0x200;
	s31 =	sor.u32 s24, s28;
	v4 =	vld [tilespmem:s30+$0x0];
	[tilespmem:s22+$0x10000] =	vst v7;
	v7 =	vadd.f32 v61, v5  }
0xd6: {  	s20 =	simm.s32 $0x2;
	s28 =	sor.u32 s24, s29;
	[tilespmem:s19+$0x0] =	vst v8;
	v5 =	vld [tilespmem:s31+$0x0];
	s22 =	simm.s32 $0x40;
	v6 =	vadd.f32 v63, v6  }
.LBB2_7:
0xd7: {  	s24 =	sand.u32 $0x60, s22;
	s25 =	sand.u32 $0x3C00, s21;
	v1 =	vadd.f32 v1, v7;
	v7 =	vld [tilespmem:s26+$0x10000];
	s19 =	sadd.s32 $0x20, s19  }
0xd8: {  	s20 =	sadd.s32 $0x2, s20;
	s29 =	sor.u32 $0x8000, s25;
	s23 =	sor.u32 $0x10, s24;
	v8 =	vld [tilespmem:s28+$0x0];
	v2 =	vadd.f32 v2, v6  }
0xd9: {  	p1 =	slt.u32 s20, $0x7E;
	s28 =	sor.u32 s24, s29;
	s29 =	sor.u32 s23, s29;
	v1 =	vadd.f32 v3, v1;
	v3 =	vld [tilespmem:s19+$0x0]  }
0xda: {  	v6 =	vld [tilespmem:s29+$0x0];
	v2 =	vadd.f32 v4, v2  }
0xdb: {  	v4 =	vld [tilespmem:s29+$0x80];
	v1 =	vadd.f32 v5, v1  }
0xdc: {  	v5 =	vld [tilespmem:s28+$0x0];
	v2 =	vadd.f32 v2, v7  }
0xdd: {  	v7 =	vld [tilespmem:s29+$0x100];
	v1 =	vadd.f32 v8, v1  }
0xde: {  	v8 =	vld [tilespmem:s28+$0x80];
	[tilespmem:s26+$0x10000] =	vst v2  }
0xdf: {  	v2 =	vld [tilespmem:s29+$0x180];
	v1 =	vadd.f32 v1, v3  }
0xe0: {  	v3 =	vld [tilespmem:s28+$0x100];
	v4 =	vadd.f32 v4, v6  }
0xe1: {  	v6 =	vld [tilespmem:s29+$0x200];
	[tilespmem:s19+$0x0] =	vst v1  }
0xe2: {  	v1 =	vld [tilespmem:s28+$0x180];
	v4 =	vadd.f32 v7, v4  }
0xe3: {  	v5 =	vadd.f32 v8, v5;
	v7 =	vld [tilespmem:s29+$0x280]  }
0xe4: {  	v8 =	vld [tilespmem:s28+$0x200];
	v2 =	vadd.f32 v2, v4  }
0xe5: {  	v3 =	vadd.f32 v3, v5;
	v4 =	vld [tilespmem:s29+$0x300]  }
0xe6: {  	v5 =	vld [tilespmem:s28+$0x280];
	v2 =	vadd.f32 v6, v2  }
0xe7: {  	s26 =	sor.u32 $0xC000, s25;
	v1 =	vadd.f32 v1, v3;
	v3 =	vld [tilespmem:s29+$0x380]  }
0xe8: {  	s29 =	sor.u32 s24, s26;
	s26 =	sor.u32 s23, s26;
	v6 =	vld [tilespmem:s28+$0x300];
	v2 =	vadd.f32 v7, v2  }
0xe9: {  	s30 =	sor.u32 $0xC080, s25;
	v1 =	vadd.f32 v8, v1;
	v7 =	vld [tilespmem:s26+$0x0]  }
0xea: {  	s26 =	sor.u32 s24, s30;
	v8 =	vld [tilespmem:s28+$0x380];
	v2 =	vadd.f32 v4, v2;
	s28 =	sor.u32 s23, s30  }
0xeb: {  	s30 =	sor.u32 $0xC100, s25;
	v1 =	vadd.f32 v5, v1;
	v4 =	vld [tilespmem:s28+$0x0]  }
0xec: {  	s28 =	sor.u32 s24, s30;
	v5 =	vld [tilespmem:s29+$0x0];
	v2 =	vadd.f32 v3, v2;
	s29 =	sor.u32 s23, s30  }
0xed: {  	s30 =	sor.u32 $0xC180, s25;
	v1 =	vadd.f32 v6, v1;
	v3 =	vld [tilespmem:s29+$0x0]  }
0xee: {  	s29 =	sor.u32 s23, s30;
	v6 =	vld [tilespmem:s26+$0x0];
	s26 =	sor.u32 s24, s30;
	v2 =	vadd.f32 v7, v2  }
0xef: {  	s30 =	sor.u32 $0xC200, s25;
	v1 =	vadd.f32 v8, v1;
	v7 =	vld [tilespmem:s29+$0x0]  }
0xf0: {  	s29 =	sor.u32 s23, s30;
	v8 =	vld [tilespmem:s28+$0x0];
	s28 =	sor.u32 s24, s30;
	v2 =	vadd.f32 v4, v2  }
0xf1: {  	s30 =	sor.u32 $0xC280, s25;
	v1 =	vadd.f32 v5, v1;
	v4 =	vld [tilespmem:s29+$0x0]  }
0xf2: {  	s29 =	sor.u32 s23, s30;
	v5 =	vld [tilespmem:s26+$0x0];
	s26 =	sor.u32 s24, s30;
	v2 =	vadd.f32 v3, v2  }
0xf3: {  	s30 =	sor.u32 $0xC300, s25;
	v3 =	vadd.f32 v6, v1;
	v6 =	vld [tilespmem:s29+$0x0]  }
.Ltmp4:
0xf4: {  	s29 =	sor.u32 s24, s30;
	v1 =	vld [tilespmem:s28+$0x0];
	v7 =	vadd.f32 v7, v2;
	s28 =	sor.u32 s23, s30;
	(pc) =	sbr.rel @p1 .LBB2_7-.Ltmp4, $4  }
0xf5: {  	s25 =	sor.u32 $0xC380, s25;
	v8 =	vadd.f32 v8, v3;
	v2 =	vld [tilespmem:s28+$0x0]  }
0xf6: {  	s28 =	sor.u32 s24, s25;
	s24 =	sor.u32 s23, s25;
	v3 =	vld [tilespmem:s26+$0x0];
	v9 =	vadd.f32 v4, v7  }
0xf7: {  	v7 =	vadd.f32 v5, v8;
	v4 =	vld [tilespmem:s24+$0x0];
	s24 =	sand.u32 $0x780, s22  }
0xf8: {  	s21 =	sadd.s32 $0x100, s21;
	s22 =	sadd.s32 $0x20, s22;
	v5 =	vld [tilespmem:s29+$0x0];
	v6 =	vadd.f32 v6, v9;
	s26 =	sor.u32 s23, s24  }
0xf9: {  	v1 =	vadd.f32 v1, v7  }
0xfa: {  	v63 =	vld [tilespmem:s28+$0x0]  }
0xfb: {  	v8 =	vld [tilespmem:s26+$0x10000];
	s19 =	sadd.s32 $0x20, s19;
	v1 =	vadd.f32 v3, v1  }
0xfc: {  	v2 =	vadd.f32 v2, v6;
	v3 =	vld [tilespmem:s19+$0x0]  }
0xfd: {  	v1 =	vadd.f32 v5, v1  }
0xfe: {  	v2 =	vadd.f32 v4, v2  }
.Ltmp5:
0xff: {  	v1 =	vadd.f32 v63, v1;
	(pc) =	sbr.rel @p0 .LBB2_10-.Ltmp5, $4  }
0x100: {  	v2 =	vadd.f32 v2, v8  }
0x101: {  	v1 =	vadd.f32 v1, v3  }
0x102: {  	[tilespmem:s26+$0x10000] =	vst v2  }
0x103: {  	[tilespmem:s19+$0x0] =	vst v1  }
.Ltmp6:
0x104: {  	(pc) =	sbr.rel .LBB2_4-.Ltmp6, $4  }
0x105: {  	_ = 	snop  }
0x106: {  	s19 =	sshll.u32 s18, $0xD  }
0x107: {  	s18 =	sadd.s32 $0x1, s18;
	s19 =	sadd.s32 s8, s19  }
0x108: {  	[tilespmem:s9], [sflag:$0x2] =	stream.linear.gather [hbm4b:s19+s2], $0x8000, $0x38;
	[tilespmem:$0x10800] =	vst v63  }
.LBB2_11:
0x109: {  	_ =	sfence.sel $0x180000  }
0x10a: {  	[bflag:$0x0] =	sbarrier.arrive $0xFFFF  }
0x10b: {  	p0 =	sne.s32 s1, $0x0;
	_ =	strace $0x90000047  }
0x10c: {  	s0 =	sadd.s32 @!p0 $0x100000, s0;
	[bflag:$0x2] =	sbarrier.arrive $0xFFFF  }
0x10d: {  	[sflag:s0] =	ssyncadd.tile.s32 @!p0 $0x1;
	_ =	shalt  }
.Lfunc_end2:
_tile_overlayer_lowered:
.L_overlay_start_2:
0x10e: {  	(tag) =	ssettag $0x2  }
0x10f: {  	s0 =	rddreg [dreg:$0x0];
	s2 =	stileid.u32  }
0x110: {  	s1 =	rddreg [dreg:$0x1];
	p0 =	sne.s32 s2, $0x0  }
0x111: {  	s3 =	rddreg [dreg:$0x2];
	[bflag:$0x3] =	sbarrier.arrive $0xFFFF;
	s2 =	simm.s32 @!p0 $0x1C03  }
0x112: {  	[timem:s3], [sflag:s2] =	dma.local @!p0 [hbm:s0], s1  }
0x113: {  	s0 =	simm.s32 @!p0 $0x3  }
0x114: {  	_ =	swait.ge @!p0 [sflag:s0], s1  }
0x115: {  	s1 =	ssub.s32 @!p0 $0x0, s1;
	[sflag:s0] =	ssyncset.done @!p0 $0x0  }
0x116: {  	[sflag:s0] =	ssyncadd.s32 @!p0 s1  }
0x117: {  	[bflag:$0x3] =	sbarrier.arrive $0xFFFF  }
0x118: {  	_ =	shalt  }

</sc_bundles>
